<compile_context>
chip_gen: v7x
topology: tpu7x:2x2x1
jax: 0.10.2.dev20260603
libtpu: 0.0.44.dev20260713+nightly
codegen_flags: <defaults>
</compile_context>

<pallas_src>
import functools

import jax
import jax.numpy as jnp
from jax import lax
from jax.experimental import pallas as pl
from jax.experimental.pallas import tpu as pltpu
from jax.experimental.pallas import tpu_sc as plsc

NC = 2
NS = 16
NW = NC * NS

D = 128
DEG_W = 128


@functools.lru_cache(maxsize=None)
def _geom(n, e, ch=128, kb=40):
    nch = (((e + NW * ch - 1) // (NW * ch)) + kb - 1) // kb * kb
    nb = nch // kb
    epad = NW * nch * ch
    npad = ((n + NS * 8 - 1) // (NS * 8)) * (NS * 8)
    if npad == n and epad > e:
        npad += NS * 8
    rps = npad // NS
    return epad, ch, nch, kb, nb, npad, rps


_MESH = plsc.VectorSubcoreMesh(core_axis_name="c", subcore_axis_name="s")


def _fill(buf, rows, val, dw=D):
    @pl.loop(0, rows)
    def _(i):
        @pl.loop(0, dw // 16)
        def _(q):
            buf[i, pl.ds(q * 16, 16)] = jnp.full((16,), val, jnp.float32)


def _zero_slice(buf, ch, sh, base, rps):
    for t in range(rps // ch):
        pltpu.sync_copy(buf, sh.at[pl.ds(base + t * ch, ch)])
    rem = rps % ch
    if rem:
        pltpu.sync_copy(buf.at[pl.ds(0, rem)],
                        sh.at[pl.ds(base + (rps // ch) * ch, rem)])


def _agg_phase(feats, src, dst, wid, src_v, dst_v, rows_a, rows_b, acc_sh,
               gs_a, gs_b, ss_a, ss_b, nb, kb):
    @pl.loop(0, nb)
    def _(k):
        pltpu.sync_copy(src.at[wid * nb + k], src_v)
        pltpu.sync_copy(dst.at[wid * nb + k], dst_v)
        pltpu.async_copy(feats.at[src_v.at[0]], rows_a, gs_a)

        @pl.loop(0, kb // 2)
        def _(g):
            j0 = 2 * g
            j1 = 2 * g + 1

            @pl.when(g > 0)
            def _():
                pltpu.make_async_copy(
                    rows_b, acc_sh.at[dst_v.at[j0 - 1]], ss_b).wait()

            pltpu.async_copy(feats.at[src_v.at[j1]], rows_b, gs_b)
            pltpu.make_async_copy(
                feats.at[src_v.at[j0]], rows_a, gs_a).wait()
            pltpu.async_copy(
                rows_a, acc_sh.at[dst_v.at[j0]], ss_a, add=True)
            pltpu.make_async_copy(
                feats.at[src_v.at[j1]], rows_b, gs_b).wait()
            pltpu.make_async_copy(
                rows_a, acc_sh.at[dst_v.at[j0]], ss_a).wait()

            @pl.when(g < kb // 2 - 1)
            def _():
                pltpu.async_copy(feats.at[src_v.at[j0 + 2]], rows_a, gs_a)

            pltpu.async_copy(
                rows_b, acc_sh.at[dst_v.at[j1]], ss_b, add=True)

        pltpu.make_async_copy(
            rows_b, acc_sh.at[dst_v.at[kb - 1]], ss_b).wait()


@functools.lru_cache(maxsize=None)
def _make_sc_agg(n, e, with_deg):
    epad, ch, nch, kb, nb, npad, rps = _geom(n, e)

    out_type = [jax.ShapeDtypeStruct((NC, npad, D), jnp.float32)]
    if with_deg:
        out_type.append(jax.ShapeDtypeStruct((NC, npad, D), jnp.float32))
    scratch = [
        pltpu.VMEM((kb, ch), jnp.int32),
        pltpu.VMEM((kb, ch), jnp.int32),
        pltpu.VMEM((ch, D), jnp.float32),
        pltpu.VMEM((ch, D), jnp.float32),
        pltpu.VMEM_SHARED((npad, D), jnp.float32),
        pltpu.SemaphoreType.DMA,
        pltpu.SemaphoreType.DMA,
        pltpu.SemaphoreType.DMA,
        pltpu.SemaphoreType.DMA,
    ]

    def body(feats, src, dst, *rest):
        if with_deg:
            (acc_out, deg_out,
             src_v, dst_v, rows_a, rows_b, acc_sh, gs_a, gs_b, ss_a, ss_b) = rest
        else:
            (acc_out,
             src_v, dst_v, rows_a, rows_b, acc_sh, gs_a, gs_b, ss_a, ss_b) = rest
        core = lax.axis_index("c")
        sub = lax.axis_index("s")
        wid = sub * NC + core
        sl = pl.ds(sub * rps, rps)

        _fill(rows_a, ch, 0.0)
        _zero_slice(rows_a, ch, acc_sh, sub * rps, rps)
        plsc.subcore_barrier()

        _agg_phase(feats, src, dst, wid, src_v, dst_v, rows_a, rows_b,
                   acc_sh, gs_a, gs_b, ss_a, ss_b, nb, kb)

        plsc.subcore_barrier()
        pltpu.sync_copy(acc_sh.at[sl], acc_out.at[core, sl])

        if with_deg:
            _fill(rows_a, ch, 0.0)
            _zero_slice(rows_a, ch, acc_sh, sub * rps, rps)
            _fill(rows_a, ch, 1.0)
            plsc.subcore_barrier()

            @pl.loop(0, nb)
            def _(k):
                pltpu.sync_copy(dst.at[wid * nb + k], dst_v)

                @pl.loop(0, kb)
                def _(j):
                    pltpu.async_copy(rows_a, acc_sh.at[dst_v.at[j]], gs_a,
                                     add=True)

                @pl.loop(0, kb)
                def _(j):
                    pltpu.make_async_copy(rows_a, acc_sh.at[dst_v.at[j]],
                                          gs_a).wait()

            plsc.subcore_barrier()
            pltpu.sync_copy(acc_sh.at[sl], deg_out.at[core, sl])

    kern = pl.kernel(body, out_type=out_type, mesh=_MESH,
                     scratch_types=scratch)

    def run(feats, src_r, dst_r):
        return kern(feats, src_r, dst_r)

    return run




def _dot(a, w):
    return jax.lax.dot_general(
        a, w, (((1,), (0,)), ((), ())),
        preferred_element_type=jnp.float32)


def _mm_body(x_ref, w1_ref, w2_ref, o1_ref, o2_ref):
    x = x_ref[...]
    o1_ref[...] = _dot(x, w1_ref[...])
    o2_ref[...] = _dot(x, w2_ref[...])


def _make_mm2(n, bn):
    grid = (n // bn,)
    return pl.pallas_call(
        _mm_body,
        grid=grid,
        in_specs=[
            pl.BlockSpec((bn, D), lambda i: (i, 0)),
            pl.BlockSpec((D, D), lambda i: (0, 0)),
            pl.BlockSpec((D, D), lambda i: (0, 0)),
        ],
        out_specs=[
            pl.BlockSpec((bn, D), lambda i: (i, 0)),
            pl.BlockSpec((bn, D), lambda i: (i, 0)),
        ],
        out_shape=[
            jax.ShapeDtypeStruct((n, D), jnp.float32),
            jax.ShapeDtypeStruct((n, D), jnp.float32),
        ],
    )


def _h_body(accp_ref, degp_ref, xr_ref, wl_ref, b_ref, o_ref, rdeg_ref):
    deg = degp_ref[0, :, :1] + degp_ref[1, :, :1]
    rdeg = 1.0 / jnp.maximum(deg, 1.0)
    mean = (accp_ref[0] + accp_ref[1]) * rdeg
    o_ref[...] = jax.nn.relu(_dot(mean, wl_ref[...]) + b_ref[...] + xr_ref[...])
    rdeg_ref[...] = jnp.broadcast_to(rdeg, rdeg_ref.shape)


def _make_h(n, bn):
    grid = (n // bn,)
    return pl.pallas_call(
        _h_body,
        grid=grid,
        in_specs=[
            pl.BlockSpec((NC, bn, D), lambda i: (0, i, 0)),
            pl.BlockSpec((NC, bn, DEG_W), lambda i: (0, i, 0)),
            pl.BlockSpec((bn, D), lambda i: (i, 0)),
            pl.BlockSpec((D, D), lambda i: (0, 0)),
            pl.BlockSpec((1, D), lambda i: (0, 0)),
        ],
        out_specs=[
            pl.BlockSpec((bn, D), lambda i: (i, 0)),
            pl.BlockSpec((bn, 8), lambda i: (i, 0)),
        ],
        out_shape=[
            jax.ShapeDtypeStruct((n, D), jnp.float32),
            jax.ShapeDtypeStruct((n, 8), jnp.float32),
        ],
    )


def _out_body(accp_ref, rdeg_ref, hr2_ref, hrd_ref, wl2_ref, wld_ref,
              b2_ref, bd_ref, oc_ref, od_ref):
    mean = (accp_ref[0] + accp_ref[1]) * rdeg_ref[:, :1]
    oc_ref[...] = _dot(mean, wl2_ref[...]) + b2_ref[...] + hr2_ref[...]
    od_ref[...] = _dot(mean, wld_ref[...]) + bd_ref[...] + hrd_ref[...]


def _make_out(n, bn):
    grid = (n // bn,)
    return pl.pallas_call(
        _out_body,
        grid=grid,
        in_specs=[
            pl.BlockSpec((NC, bn, D), lambda i: (0, i, 0)),
            pl.BlockSpec((bn, 8), lambda i: (i, 0)),
            pl.BlockSpec((bn, D), lambda i: (i, 0)),
            pl.BlockSpec((bn, D), lambda i: (i, 0)),
            pl.BlockSpec((D, D), lambda i: (0, 0)),
            pl.BlockSpec((D, D), lambda i: (0, 0)),
            pl.BlockSpec((1, D), lambda i: (0, 0)),
            pl.BlockSpec((1, D), lambda i: (0, 0)),
        ],
        out_specs=[
            pl.BlockSpec((bn, D), lambda i: (i, 0)),
            pl.BlockSpec((bn, D), lambda i: (i, 0)),
        ],
        out_shape=[
            jax.ShapeDtypeStruct((n, D), jnp.float32),
            jax.ShapeDtypeStruct((n, D), jnp.float32),
        ],
    )


def _pad_edges(src, dst, n, epad, e, npad):
    if epad > e:
        pad_i = jnp.arange(epad - e, dtype=jnp.int32)
        src = jnp.concatenate([src, pad_i % n])
        dst = jnp.concatenate([dst, n + pad_i % (npad - n)])
    return src, dst


def kernel(x, edge_index, Wl1, Wr1, b1, Wl2, Wr2, b2, Wld, Wrd, bd):
    n, d = x.shape
    e = edge_index.shape[1]
    src = edge_index[0]
    dst = edge_index[1]
    bn = 5000

    d_out = Wld.shape[0]
    pad = jnp.zeros((D, D - d_out), jnp.float32)
    wld_t = jnp.concatenate([Wld.T, pad], axis=1)
    wrd_t = jnp.concatenate([Wrd.T, pad], axis=1)
    bd_p = jnp.concatenate([bd, jnp.zeros((D - d_out,), jnp.float32)])

    agg = _make_sc_agg(n, e, False)
    agg_deg = _make_sc_agg(n, e, True)
    mm2 = _make_mm2(n, bn)
    mk_h = _make_h(n, bn)
    mk_out = _make_out(n, bn)

    epad, ch, nch, kb, nb, npad, rps = _geom(n, e)
    src, dst = _pad_edges(src, dst, n, epad, e, npad)
    src_r = src.reshape(NW * nb, kb, ch)
    dst_r = dst.reshape(NW * nb, kb, ch)

    a1p, degp = agg_deg(x, src_r, dst_r)
    xr, _ = mm2(x, Wr1.T, Wr1.T)
    h, rdeg8 = mk_h(a1p, degp, xr, Wl1.T, b1.reshape(1, D))

    (a2p,) = agg(h, src_r, dst_r)
    hr2, hrd = mm2(h, Wr2.T, wrd_t)
    y_class, y_domain_f = mk_out(a2p, rdeg8, hr2, hrd, Wl2.T, wld_t,
                                 b2.reshape(1, D), bd_p.reshape(1, D))
    return (y_class, y_domain_f[:, :d_out])

# --- scband reference (transcript-rebuilt; emitter-appended) ---
"""Pipeline reference for scband-gsage-51187420233864 (READ-ONLY COPY).

The authoritative reference and input builder live on the scoring server;
editing this copy changes nothing except your own understanding.
"""

import jax, jax.numpy as jnp
import numpy as np

N = 10000
E = 320000
D_IN = 128
D_H = 128
D_OUT = 128
ALPHA = 0.5


def setup_inputs(seed: int = 0) -> dict:
    key = jax.random.key(seed)
    ks = jax.random.split(key, 12)
    x = jax.random.normal(ks[0], (N, D_IN), dtype=jnp.float32)
    edge_index = jax.random.randint(ks[1], (2, E), 0, N, dtype=jnp.int32)
    s1 = 1.0 / np.sqrt(D_IN)
    s2 = 1.0 / np.sqrt(D_H)
    # conv1: SAGEConv(D_IN -> D_H): lin_l (aggregated neighbors, with bias), lin_r (root)
    Wl1 = jax.random.uniform(ks[2], (D_H, D_IN), jnp.float32, -s1, s1)
    Wr1 = jax.random.uniform(ks[3], (D_H, D_IN), jnp.float32, -s1, s1)
    b1 = jnp.zeros((D_H,), jnp.float32)
    # conv2: SAGEConv(D_H -> D_OUT)
    Wl2 = jax.random.uniform(ks[4], (D_OUT, D_H), jnp.float32, -s2, s2)
    Wr2 = jax.random.uniform(ks[5], (D_OUT, D_H), jnp.float32, -s2, s2)
    b2 = jnp.zeros((D_OUT,), jnp.float32)
    # domain_classifier: SAGEConv(D_H -> 2)
    Wld = jax.random.uniform(ks[6], (2, D_H), jnp.float32, -s2, s2)
    Wrd = jax.random.uniform(ks[7], (2, D_H), jnp.float32, -s2, s2)
    bd = jnp.zeros((2,), jnp.float32)
    return {"x": x, "edge_index": edge_index, "Wl1": Wl1, "Wr1": Wr1, "b1": b1,
            "Wl2": Wl2, "Wr2": Wr2, "b2": b2, "Wld": Wld, "Wrd": Wrd, "bd": bd}


def _sage_conv(x, src, dst, Wl, Wr, b):
    # PyG SAGEConv (aggr='mean', root_weight=True):
    # out = lin_l(mean_{j in N(i)} x_j) + lin_r(x_i)
    msg = jnp.take(x, src, axis=0)                                # gather: [E, d]
    agg = jax.ops.segment_sum(msg, dst, num_segments=N)           # scatter-add
    ones = jnp.ones((src.shape[0],), dtype=x.dtype)
    deg = jax.ops.segment_sum(ones, dst, num_segments=N)
    mean = agg / jnp.maximum(deg, 1.0)[:, None]
    return mean @ Wl.T + b + x @ Wr.T


def reference(x, edge_index, Wl1, Wr1, b1, Wl2, Wr2, b2, Wld, Wrd, bd):
    src = edge_index[0]
    dst = edge_index[1]
    # eval mode: dropout(p=0.5) is identity
    h = _sage_conv(x, src, dst, Wl1, Wr1, b1)
    h = jax.nn.relu(h)
    y_class = _sage_conv(h, src, dst, Wl2, Wr2, b2)
    # ReverseLayerF is identity in the forward pass
    y_domain = _sage_conv(h, src, dst, Wld, Wrd, bd)
    return (y_class, y_domain)

if __name__ == "__main__":
    import jax
    _d = setup_inputs()
    print(jax.jit(kernel)(*tuple(_d.values())))

</pallas_src>

<mosaic_0001>
#map = affine_map<(d0, d1) -> (0, 0)>
#map1 = affine_map<(d0, d1) -> (0, 0, 0)>
module attributes {stable_mosaic.version = 14 : i64} {
  func.func @body(%arg0: i32, %arg1: i32, %arg2: memref<10000x128xf32, #tpu.memory_space<hbm>>, %arg3: memref<64x40x128xi32, #tpu.memory_space<hbm>>, %arg4: memref<64x40x128xi32, #tpu.memory_space<hbm>>, %arg5: memref<2x10112x128xf32, #tpu.memory_space<hbm>>, %arg6: memref<2x10112x128xf32, #tpu.memory_space<hbm>>, %arg7: memref<40x128xi32, #tpu.memory_space<vmem>>, %arg8: memref<40x128xi32, #tpu.memory_space<vmem>>, %arg9: memref<128x128xf32, #tpu.memory_space<vmem>>, %arg10: memref<128x128xf32, #tpu.memory_space<vmem>>, %arg11: memref<10112x128xf32, #tpu.memory_space<vmem_shared>>, %arg12: memref<!tpu.dma_semaphore, #tpu.memory_space<semaphore_mem>>, %arg13: memref<!tpu.dma_semaphore, #tpu.memory_space<semaphore_mem>>, %arg14: memref<!tpu.dma_semaphore, #tpu.memory_space<semaphore_mem>>, %arg15: memref<!tpu.dma_semaphore, #tpu.memory_space<semaphore_mem>>) attributes {dimension_semantics = [#tpu.dimension_semantics<core_parallel>, #tpu.dimension_semantics<subcore_parallel>], iteration_bounds = array<i64: 2, 16>, scalar_prefetch = 0 : i64, scratch_operands = 9 : i64, tpu.core_type = #tpu.core_type<sc_vector_subcore>, window_params = [{transform_indices = #map}, {transform_indices = #map1}, {transform_indices = #map1}, {transform_indices = #map1}, {transform_indices = #map1}]} {
    %mul3A = arith.constant 2 : i32
    %mul3A_0 = arith.muli %arg1, %mul3A : i32
    %add3A = arith.addi %mul3A_0, %arg0 : i32
    %mul3A_1 = arith.constant 632 : i32
    %mul3A_2 = arith.muli %arg1, %mul3A_1 : i32
    %scan3A = arith.constant 0 : i32
    %scan3A_3 = arith.constant 128 : i32
    %scan3A_4 = arith.addi %scan3A, %scan3A_3 : i32
    %scan3A_5 = arith.constant 1 : i32
    scf.for %scan3A_54 = %scan3A to %scan3A_4 step %scan3A_5  : i32 {
      %mul3A_55 = arith.constant 1 : i32
      %mul3A_56 = arith.muli %scan3A_54, %mul3A_55 : i32
      %add3A_57 = arith.constant 0 : i32
      %add3A_58 = arith.addi %add3A_57, %mul3A_56 : i32
      %scan3A_59 = arith.constant 0 : i32
      %scan3A_60 = arith.constant 8 : i32
      %scan3A_61 = arith.addi %scan3A_59, %scan3A_60 : i32
      %scan3A_62 = arith.constant 1 : i32
      scf.for %scan3A_64 = %scan3A_59 to %scan3A_61 step %scan3A_62  : i32 {
        %mul3A_65 = arith.constant 1 : i32
        %mul3A_66 = arith.muli %scan3A_64, %mul3A_65 : i32
        %add3A_67 = arith.constant 0 : i32
        %add3A_68 = arith.addi %add3A_67, %mul3A_66 : i32
        %broadcast_in_dim3A = arith.constant 0.000000e+00 : f32
        %broadcast_in_dim3A_69 = vector.broadcast %broadcast_in_dim3A : f32 to vector<16xf32>
        %mul3A_70 = arith.constant 16 : i32
        %mul3A_71 = arith.muli %add3A_68, %mul3A_70 : i32
        %swap3A = arith.index_cast %add3A_58 : i32 to index
        %swap3A_72 = arith.index_cast %mul3A_71 : i32 to index
        %swap3A_73 = tpu.vector_load %arg9[%swap3A, %swap3A_72] {strides = array<i32>} : memref<128x128xf32, #tpu.memory_space<vmem>>, vector<1x16xf32>,
        %swap3A_74 = vector.shape_cast %swap3A_73 : vector<1x16xf32> to vector<16xf32>
        %swap3A_75 = vector.shape_cast %broadcast_in_dim3A_69 : vector<16xf32> to vector<1x16xf32>
        tpu.vector_store %arg9[%swap3A, %swap3A_72], %swap3A_75 {strides = array<i32>} : memref<128x128xf32, #tpu.memory_space<vmem>>, vector<1x16xf32>,
      }
      %scan3A_63 = arith.constant 8 : i32
    }
    %scan3A_6 = arith.constant 128 : i32
    %mul3A_7 = arith.constant 632 : i32
    %mul3A_8 = arith.muli %arg1, %mul3A_7 : i32
    %add3A_9 = arith.constant 0 : i32
    %add3A_10 = arith.addi %mul3A_8, %add3A_9 : i32
    "tpu.region"() ({
      %run_scoped3A = tpu.sem_alloc : memref<!tpu.dma_semaphore, #tpu.memory_space<semaphore_mem>>
      %dma_start3A = arith.constant 0 : i32
      %dma_start3A_54 = tpu.memref_slice %arg11[%add3A_10, %dma_start3A] : memref<10112x128xf32, #tpu.memory_space<vmem_shared>> -> memref<128x128xf32, #tpu.memory_space<vmem_shared>>
      %dma_start3A_55 = arith.constant 0 : i32
      %dma_start3A_56 = tpu.memref_slice %arg11[%add3A_10, %dma_start3A_55] : memref<10112x128xf32, #tpu.memory_space<vmem_shared>> -> memref<128x128xf32, #tpu.memory_space<vmem_shared>>
      tpu.enqueue_dma source(%arg9 : memref<128x128xf32, #tpu.memory_space<vmem>>) target(%dma_start3A_56 : memref<128x128xf32, #tpu.memory_space<vmem_shared>>) target_semaphore(%run_scoped3A : memref<!tpu.dma_semaphore, #tpu.memory_space<semaphore_mem>>)
      %dma_wait3A = arith.constant 0 : i32
      %dma_wait3A_57 = tpu.memref_slice %arg11[%add3A_10, %dma_wait3A] : memref<10112x128xf32, #tpu.memory_space<vmem_shared>> -> memref<128x128xf32, #tpu.memory_space<vmem_shared>>
      %dma_wait3A_58 = arith.constant 0 : i32
      %dma_wait3A_59 = tpu.memref_slice %arg11[%add3A_10, %dma_wait3A_58] : memref<10112x128xf32, #tpu.memory_space<vmem_shared>> -> memref<128x128xf32, #tpu.memory_space<vmem_shared>>
      tpu.wait_dma2 semaphore(%run_scoped3A : memref<!tpu.dma_semaphore, #tpu.memory_space<semaphore_mem>>) src(%arg9 : memref<128x128xf32, #tpu.memory_space<vmem>>) dst(%dma_wait3A_59 : memref<128x128xf32, #tpu.memory_space<vmem_shared>>)
      tpu.yield
    }) : () -> ()
    %add3A_11 = arith.constant 128 : i32
    %add3A_12 = arith.addi %mul3A_8, %add3A_11 : i32
    "tpu.region"() ({
      %run_scoped3A = tpu.sem_alloc : memref<!tpu.dma_semaphore, #tpu.memory_space<semaphore_mem>>
      %dma_start3A = arith.constant 0 : i32
      %dma_start3A_54 = tpu.memref_slice %arg11[%add3A_12, %dma_start3A] : memref<10112x128xf32, #tpu.memory_space<vmem_shared>> -> memref<128x128xf32, #tpu.memory_space<vmem_shared>>
      %dma_start3A_55 = arith.constant 0 : i32
      %dma_start3A_56 = tpu.memref_slice %arg11[%add3A_12, %dma_start3A_55] : memref<10112x128xf32, #tpu.memory_space<vmem_shared>> -> memref<128x128xf32, #tpu.memory_space<vmem_shared>>
      tpu.enqueue_dma source(%arg9 : memref<128x128xf32, #tpu.memory_space<vmem>>) target(%dma_start3A_56 : memref<128x128xf32, #tpu.memory_space<vmem_shared>>) target_semaphore(%run_scoped3A : memref<!tpu.dma_semaphore, #tpu.memory_space<semaphore_mem>>)
      %dma_wait3A = arith.constant 0 : i32
      %dma_wait3A_57 = tpu.memref_slice %arg11[%add3A_12, %dma_wait3A] : memref<10112x128xf32, #tpu.memory_space<vmem_shared>> -> memref<128x128xf32, #tpu.memory_space<vmem_shared>>
      %dma_wait3A_58 = arith.constant 0 : i32
      %dma_wait3A_59 = tpu.memref_slice %arg11[%add3A_12, %dma_wait3A_58] : memref<10112x128xf32, #tpu.memory_space<vmem_shared>> -> memref<128x128xf32, #tpu.memory_space<vmem_shared>>
      tpu.wait_dma2 semaphore(%run_scoped3A : memref<!tpu.dma_semaphore, #tpu.memory_space<semaphore_mem>>) src(%arg9 : memref<128x128xf32, #tpu.memory_space<vmem>>) dst(%dma_wait3A_59 : memref<128x128xf32, #tpu.memory_space<vmem_shared>>)
      tpu.yield
    }) : () -> ()
    %add3A_13 = arith.constant 256 : i32
    %add3A_14 = arith.addi %mul3A_8, %add3A_13 : i32
    "tpu.region"() ({
      %run_scoped3A = tpu.sem_alloc : memref<!tpu.dma_semaphore, #tpu.memory_space<semaphore_mem>>
      %dma_start3A = arith.constant 0 : i32
      %dma_start3A_54 = tpu.memref_slice %arg11[%add3A_14, %dma_start3A] : memref<10112x128xf32, #tpu.memory_space<vmem_shared>> -> memref<128x128xf32, #tpu.memory_space<vmem_shared>>
      %dma_start3A_55 = arith.constant 0 : i32
      %dma_start3A_56 = tpu.memref_slice %arg11[%add3A_14, %dma_start3A_55] : memref<10112x128xf32, #tpu.memory_space<vmem_shared>> -> memref<128x128xf32, #tpu.memory_space<vmem_shared>>
      tpu.enqueue_dma source(%arg9 : memref<128x128xf32, #tpu.memory_space<vmem>>) target(%dma_start3A_56 : memref<128x128xf32, #tpu.memory_space<vmem_shared>>) target_semaphore(%run_scoped3A : memref<!tpu.dma_semaphore, #tpu.memory_space<semaphore_mem>>)
      %dma_wait3A = arith.constant 0 : i32
      %dma_wait3A_57 = tpu.memref_slice %arg11[%add3A_14, %dma_wait3A] : memref<10112x128xf32, #tpu.memory_space<vmem_shared>> -> memref<128x128xf32, #tpu.memory_space<vmem_shared>>
      %dma_wait3A_58 = arith.constant 0 : i32
      %dma_wait3A_59 = tpu.memref_slice %arg11[%add3A_14, %dma_wait3A_58] : memref<10112x128xf32, #tpu.memory_space<vmem_shared>> -> memref<128x128xf32, #tpu.memory_space<vmem_shared>>
      tpu.wait_dma2 semaphore(%run_scoped3A : memref<!tpu.dma_semaphore, #tpu.memory_space<semaphore_mem>>) src(%arg9 : memref<128x128xf32, #tpu.memory_space<vmem>>) dst(%dma_wait3A_59 : memref<128x128xf32, #tpu.memory_space<vmem_shared>>)
      tpu.yield
    }) : () -> ()
    %add3A_15 = arith.constant 384 : i32
    %add3A_16 = arith.addi %mul3A_8, %add3A_15 : i32
    "tpu.region"() ({
      %run_scoped3A = tpu.sem_alloc : memref<!tpu.dma_semaphore, #tpu.memory_space<semaphore_mem>>
      %dma_start3A = arith.constant 0 : i32
      %dma_start3A_54 = tpu.memref_slice %arg11[%add3A_16, %dma_start3A] : memref<10112x128xf32, #tpu.memory_space<vmem_shared>> -> memref<128x128xf32, #tpu.memory_space<vmem_shared>>
      %dma_start3A_55 = arith.constant 0 : i32
      %dma_start3A_56 = tpu.memref_slice %arg11[%add3A_16, %dma_start3A_55] : memref<10112x128xf32, #tpu.memory_space<vmem_shared>> -> memref<128x128xf32, #tpu.memory_space<vmem_shared>>
      tpu.enqueue_dma source(%arg9 : memref<128x128xf32, #tpu.memory_space<vmem>>) target(%dma_start3A_56 : memref<128x128xf32, #tpu.memory_space<vmem_shared>>) target_semaphore(%run_scoped3A : memref<!tpu.dma_semaphore, #tpu.memory_space<semaphore_mem>>)
      %dma_wait3A = arith.constant 0 : i32
      %dma_wait3A_57 = tpu.memref_slice %arg11[%add3A_16, %dma_wait3A] : memref<10112x128xf32, #tpu.memory_space<vmem_shared>> -> memref<128x128xf32, #tpu.memory_space<vmem_shared>>
      %dma_wait3A_58 = arith.constant 0 : i32
      %dma_wait3A_59 = tpu.memref_slice %arg11[%add3A_16, %dma_wait3A_58] : memref<10112x128xf32, #tpu.memory_space<vmem_shared>> -> memref<128x128xf32, #tpu.memory_space<vmem_shared>>
      tpu.wait_dma2 semaphore(%run_scoped3A : memref<!tpu.dma_semaphore, #tpu.memory_space<semaphore_mem>>) src(%arg9 : memref<128x128xf32, #tpu.memory_space<vmem>>) dst(%dma_wait3A_59 : memref<128x128xf32, #tpu.memory_space<vmem_shared>>)
      tpu.yield
    }) : () -> ()
    %add3A_17 = arith.constant 512 : i32
    %add3A_18 = arith.addi %mul3A_8, %add3A_17 : i32
    "tpu.region"() ({
      %run_scoped3A = tpu.sem_alloc : memref<!tpu.dma_semaphore, #tpu.memory_space<semaphore_mem>>
      %dma_start3A = arith.constant 0 : i32
      %dma_start3A_54 = arith.constant 0 : i32
      %dma_start3A_55 = tpu.memref_slice %arg9[%dma_start3A, %dma_start3A_54] : memref<128x128xf32, #tpu.memory_space<vmem>> -> memref<120x128xf32, #tpu.memory_space<vmem>>
      %dma_start3A_56 = arith.constant 0 : i32
      %dma_start3A_57 = tpu.memref_slice %arg11[%add3A_18, %dma_start3A_56] : memref<10112x128xf32, #tpu.memory_space<vmem_shared>> -> memref<120x128xf32, #tpu.memory_space<vmem_shared>>
      %dma_start3A_58 = arith.constant 0 : i32
      %dma_start3A_59 = tpu.memref_slice %arg11[%add3A_18, %dma_start3A_58] : memref<10112x128xf32, #tpu.memory_space<vmem_shared>> -> memref<120x128xf32, #tpu.memory_space<vmem_shared>>
      %dma_start3A_60 = arith.constant 0 : i32
      %dma_start3A_61 = arith.constant 0 : i32
      %dma_start3A_62 = tpu.memref_slice %arg9[%dma_start3A_60, %dma_start3A_61] : memref<128x128xf32, #tpu.memory_space<vmem>> -> memref<120x128xf32, #tpu.memory_space<vmem>>
      tpu.enqueue_dma source(%dma_start3A_62 : memref<120x128xf32, #tpu.memory_space<vmem>>) target(%dma_start3A_59 : memref<120x128xf32, #tpu.memory_space<vmem_shared>>) target_semaphore(%run_scoped3A : memref<!tpu.dma_semaphore, #tpu.memory_space<semaphore_mem>>)
      %dma_wait3A = arith.constant 0 : i32
      %dma_wait3A_63 = arith.constant 0 : i32
      %dma_wait3A_64 = tpu.memref_slice %arg9[%dma_wait3A, %dma_wait3A_63] : memref<128x128xf32, #tpu.memory_space<vmem>> -> memref<120x128xf32, #tpu.memory_space<vmem>>
      %dma_wait3A_65 = arith.constant 0 : i32
      %dma_wait3A_66 = tpu.memref_slice %arg11[%add3A_18, %dma_wait3A_65] : memref<10112x128xf32, #tpu.memory_space<vmem_shared>> -> memref<120x128xf32, #tpu.memory_space<vmem_shared>>
      %dma_wait3A_67 = arith.constant 0 : i32
      %dma_wait3A_68 = tpu.memref_slice %arg11[%add3A_18, %dma_wait3A_67] : memref<10112x128xf32, #tpu.memory_space<vmem_shared>> -> memref<120x128xf32, #tpu.memory_space<vmem_shared>>
      %dma_wait3A_69 = arith.constant 0 : i32
      %dma_wait3A_70 = arith.constant 0 : i32
      %dma_wait3A_71 = tpu.memref_slice %arg9[%dma_wait3A_69, %dma_wait3A_70] : memref<128x128xf32, #tpu.memory_space<vmem>> -> memref<120x128xf32, #tpu.memory_space<vmem>>
      tpu.wait_dma2 semaphore(%run_scoped3A : memref<!tpu.dma_semaphore, #tpu.memory_space<semaphore_mem>>) src(%dma_wait3A_71 : memref<120x128xf32, #tpu.memory_space<vmem>>) dst(%dma_wait3A_68 : memref<120x128xf32, #tpu.memory_space<vmem_shared>>)
      tpu.yield
    }) : () -> ()
    %barrier3A = arith.constant 0 : index
    tpu.barrier barrier_id(%barrier3A)
    %scan3A_19 = arith.constant 0 : i32
    %scan3A_20 = arith.constant 2 : i32
    %scan3A_21 = arith.addi %scan3A_19, %scan3A_20 : i32
    %scan3A_22 = arith.constant 1 : i32
    scf.for %scan3A_54 = %scan3A_19 to %scan3A_21 step %scan3A_22  : i32 {
      %mul3A_55 = arith.constant 1 : i32
      %mul3A_56 = arith.muli %scan3A_54, %mul3A_55 : i32
      %add3A_57 = arith.constant 0 : i32
      %add3A_58 = arith.addi %add3A_57, %mul3A_56 : i32
      %mul3A_59 = arith.constant 2 : i32
      %mul3A_60 = arith.muli %add3A, %mul3A_59 : i32
      %add3A_61 = arith.addi %mul3A_60, %add3A_58 : i32
      "tpu.region"() ({
        %run_scoped3A = tpu.sem_alloc : memref<!tpu.dma_semaphore, #tpu.memory_space<semaphore_mem>>
        %dma_start3A_82 = arith.constant 0 : i32
        %dma_start3A_83 = arith.constant 0 : i32
        %dma_start3A_84 = tpu.memref_slice %arg3[%add3A_61, %dma_start3A_82, %dma_start3A_83] : memref<64x40x128xi32, #tpu.memory_space<hbm>> -> memref<1x40x128xi32, #tpu.memory_space<hbm>>
        %dma_start3A_85 = tpu.memref_squeeze %dma_start3A_84 : memref<1x40x128xi32, #tpu.memory_space<hbm>> -> memref<40x128xi32, #tpu.memory_space<hbm>>
        %dma_start3A_86 = arith.constant 0 : i32
        %dma_start3A_87 = arith.constant 0 : i32
        %dma_start3A_88 = tpu.memref_slice %arg3[%add3A_61, %dma_start3A_86, %dma_start3A_87] : memref<64x40x128xi32, #tpu.memory_space<hbm>> -> memref<1x40x128xi32, #tpu.memory_space<hbm>>
        %dma_start3A_89 = tpu.memref_squeeze %dma_start3A_88 : memref<1x40x128xi32, #tpu.memory_space<hbm>> -> memref<40x128xi32, #tpu.memory_space<hbm>>
        tpu.enqueue_dma source(%dma_start3A_89 : memref<40x128xi32, #tpu.memory_space<hbm>>) target(%arg7 : memref<40x128xi32, #tpu.memory_space<vmem>>) target_semaphore(%run_scoped3A : memref<!tpu.dma_semaphore, #tpu.memory_space<semaphore_mem>>)
        %dma_wait3A_90 = arith.constant 0 : i32
        %dma_wait3A_91 = arith.constant 0 : i32
        %dma_wait3A_92 = tpu.memref_slice %arg3[%add3A_61, %dma_wait3A_90, %dma_wait3A_91] : memref<64x40x128xi32, #tpu.memory_space<hbm>> -> memref<1x40x128xi32, #tpu.memory_space<hbm>>
        %dma_wait3A_93 = tpu.memref_squeeze %dma_wait3A_92 : memref<1x40x128xi32, #tpu.memory_space<hbm>> -> memref<40x128xi32, #tpu.memory_space<hbm>>
        %dma_wait3A_94 = arith.constant 0 : i32
        %dma_wait3A_95 = arith.constant 0 : i32
        %dma_wait3A_96 = tpu.memref_slice %arg3[%add3A_61, %dma_wait3A_94, %dma_wait3A_95] : memref<64x40x128xi32, #tpu.memory_space<hbm>> -> memref<1x40x128xi32, #tpu.memory_space<hbm>>
        %dma_wait3A_97 = tpu.memref_squeeze %dma_wait3A_96 : memref<1x40x128xi32, #tpu.memory_space<hbm>> -> memref<40x128xi32, #tpu.memory_space<hbm>>
        tpu.wait_dma2 semaphore(%run_scoped3A : memref<!tpu.dma_semaphore, #tpu.memory_space<semaphore_mem>>) src(%dma_wait3A_97 : memref<40x128xi32, #tpu.memory_space<hbm>>) dst(%arg7 : memref<40x128xi32, #tpu.memory_space<vmem>>)
        tpu.yield
      }) : () -> ()
      %mul3A_62 = arith.constant 2 : i32
      %mul3A_63 = arith.muli %add3A, %mul3A_62 : i32
      %add3A_64 = arith.addi %mul3A_63, %add3A_58 : i32
      "tpu.region"() ({
        %run_scoped3A = tpu.sem_alloc : memref<!tpu.dma_semaphore, #tpu.memory_space<semaphore_mem>>
        %dma_start3A_82 = arith.constant 0 : i32
        %dma_start3A_83 = arith.constant 0 : i32
        %dma_start3A_84 = tpu.memref_slice %arg4[%add3A_64, %dma_start3A_82, %dma_start3A_83] : memref<64x40x128xi32, #tpu.memory_space<hbm>> -> memref<1x40x128xi32, #tpu.memory_space<hbm>>
        %dma_start3A_85 = tpu.memref_squeeze %dma_start3A_84 : memref<1x40x128xi32, #tpu.memory_space<hbm>> -> memref<40x128xi32, #tpu.memory_space<hbm>>
        %dma_start3A_86 = arith.constant 0 : i32
        %dma_start3A_87 = arith.constant 0 : i32
        %dma_start3A_88 = tpu.memref_slice %arg4[%add3A_64, %dma_start3A_86, %dma_start3A_87] : memref<64x40x128xi32, #tpu.memory_space<hbm>> -> memref<1x40x128xi32, #tpu.memory_space<hbm>>
        %dma_start3A_89 = tpu.memref_squeeze %dma_start3A_88 : memref<1x40x128xi32, #tpu.memory_space<hbm>> -> memref<40x128xi32, #tpu.memory_space<hbm>>
        tpu.enqueue_dma source(%dma_start3A_89 : memref<40x128xi32, #tpu.memory_space<hbm>>) target(%arg8 : memref<40x128xi32, #tpu.memory_space<vmem>>) target_semaphore(%run_scoped3A : memref<!tpu.dma_semaphore, #tpu.memory_space<semaphore_mem>>)
        %dma_wait3A_90 = arith.constant 0 : i32
        %dma_wait3A_91 = arith.constant 0 : i32
        %dma_wait3A_92 = tpu.memref_slice %arg4[%add3A_64, %dma_wait3A_90, %dma_wait3A_91] : memref<64x40x128xi32, #tpu.memory_space<hbm>> -> memref<1x40x128xi32, #tpu.memory_space<hbm>>
        %dma_wait3A_93 = tpu.memref_squeeze %dma_wait3A_92 : memref<1x40x128xi32, #tpu.memory_space<hbm>> -> memref<40x128xi32, #tpu.memory_space<hbm>>
        %dma_wait3A_94 = arith.constant 0 : i32
        %dma_wait3A_95 = arith.constant 0 : i32
        %dma_wait3A_96 = tpu.memref_slice %arg4[%add3A_64, %dma_wait3A_94, %dma_wait3A_95] : memref<64x40x128xi32, #tpu.memory_space<hbm>> -> memref<1x40x128xi32, #tpu.memory_space<hbm>>
        %dma_wait3A_97 = tpu.memref_squeeze %dma_wait3A_96 : memref<1x40x128xi32, #tpu.memory_space<hbm>> -> memref<40x128xi32, #tpu.memory_space<hbm>>
        tpu.wait_dma2 semaphore(%run_scoped3A : memref<!tpu.dma_semaphore, #tpu.memory_space<semaphore_mem>>) src(%dma_wait3A_97 : memref<40x128xi32, #tpu.memory_space<hbm>>) dst(%arg8 : memref<40x128xi32, #tpu.memory_space<vmem>>)
        tpu.yield
      }) : () -> ()
      %dma_start3A = arith.constant 0 : i32
      %dma_start3A_65 = arith.constant 0 : i32
      %dma_start3A_66 = tpu.memref_slice %arg7[%dma_start3A, %dma_start3A_65] : memref<40x128xi32, #tpu.memory_space<vmem>> -> memref<1x128xi32, #tpu.memory_space<vmem>>
      %dma_start3A_67 = tpu.memref_squeeze %dma_start3A_66 : memref<1x128xi32, #tpu.memory_space<vmem>> -> memref<128xi32, #tpu.memory_space<vmem>>
      %dma_start3A_68 = arith.constant 0 : i32
      %dma_start3A_69 = arith.constant 0 : i32
      %dma_start3A_70 = tpu.memref_slice %arg2[%dma_start3A_68, %dma_start3A_69] : memref<10000x128xf32, #tpu.memory_space<hbm>> -> memref<10000x128xf32, #tpu.memory_space<hbm>>
      tpu.enqueue_indirect_dma source(%dma_start3A_70 : memref<10000x128xf32, #tpu.memory_space<hbm>>) target(%arg9 : memref<128x128xf32, #tpu.memory_space<vmem>>) offsets(%dma_start3A_67 : memref<128xi32, #tpu.memory_space<vmem>>) semaphore(%arg12 : memref<!tpu.dma_semaphore, #tpu.memory_space<semaphore_mem>>)
      %scan3A_71 = arith.constant 0 : i32
      %scan3A_72 = arith.constant 20 : i32
      %scan3A_73 = arith.addi %scan3A_71, %scan3A_72 : i32
      %scan3A_74 = arith.constant 1 : i32
      scf.for %scan3A_82 = %scan3A_71 to %scan3A_73 step %scan3A_74  : i32 {
        %mul3A_83 = arith.constant 1 : i32
        %mul3A_84 = arith.muli %scan3A_82, %mul3A_83 : i32
        %add3A_85 = arith.constant 0 : i32
        %add3A_86 = arith.addi %add3A_85, %mul3A_84 : i32
        %mul3A_87 = arith.constant 2 : i32
        %mul3A_88 = arith.muli %mul3A_87, %add3A_86 : i32
        %mul3A_89 = arith.constant 2 : i32
        %mul3A_90 = arith.muli %mul3A_89, %add3A_86 : i32
        %add3A_91 = arith.constant 1 : i32
        %add3A_92 = arith.addi %mul3A_90, %add3A_91 : i32
        %gt3A = arith.constant 0 : i32
        %gt3A_93 = arith.cmpi sgt, %add3A_86, %gt3A : i32
        %convert_element_type3A = arith.extui %gt3A_93 : i1 to i32
        %cond3A = arith.constant 0 : i32
        %cond3A_94 = arith.cmpi ne, %convert_element_type3A, %cond3A : i32
        scf.if %cond3A_94 {
          %sub3A = arith.constant 1 : i32
          %sub3A_135 = arith.subi %mul3A_88, %sub3A : i32
          %dma_wait3A_136 = arith.constant 0 : i32
          %dma_wait3A_137 = tpu.memref_slice %arg8[%sub3A_135, %dma_wait3A_136] : memref<40x128xi32, #tpu.memory_space<vmem>> -> memref<1x128xi32, #tpu.memory_space<vmem>>
          %dma_wait3A_138 = tpu.memref_squeeze %dma_wait3A_137 : memref<1x128xi32, #tpu.memory_space<vmem>> -> memref<128xi32, #tpu.memory_space<vmem>>
          %dma_wait3A_139 = arith.constant 0 : i32
          %dma_wait3A_140 = arith.constant 0 : i32
          %dma_wait3A_141 = tpu.memref_slice %arg11[%dma_wait3A_139, %dma_wait3A_140] : memref<10112x128xf32, #tpu.memory_space<vmem_shared>> -> memref<10112x128xf32, #tpu.memory_space<vmem_shared>>
          tpu.wait_indirect_dma semaphore(%arg15 : memref<!tpu.dma_semaphore, #tpu.memory_space<semaphore_mem>>) src(%arg10 : memref<128x128xf32, #tpu.memory_space<vmem>>) dst(%dma_wait3A_141 : memref<10112x128xf32, #tpu.memory_space<vmem_shared>>)
        } else {
        }
        %dma_start3A_95 = arith.constant 0 : i32
        %dma_start3A_96 = tpu.memref_slice %arg7[%add3A_92, %dma_start3A_95] : memref<40x128xi32, #tpu.memory_space<vmem>> -> memref<1x128xi32, #tpu.memory_space<vmem>>
        %dma_start3A_97 = tpu.memref_squeeze %dma_start3A_96 : memref<1x128xi32, #tpu.memory_space<vmem>> -> memref<128xi32, #tpu.memory_space<vmem>>
        %dma_start3A_98 = arith.constant 0 : i32
        %dma_start3A_99 = arith.constant 0 : i32
        %dma_start3A_100 = tpu.memref_slice %arg2[%dma_start3A_98, %dma_start3A_99] : memref<10000x128xf32, #tpu.memory_space<hbm>> -> memref<10000x128xf32, #tpu.memory_space<hbm>>
        tpu.enqueue_indirect_dma source(%dma_start3A_100 : memref<10000x128xf32, #tpu.memory_space<hbm>>) target(%arg10 : memref<128x128xf32, #tpu.memory_space<vmem>>) offsets(%dma_start3A_97 : memref<128xi32, #tpu.memory_space<vmem>>) semaphore(%arg13 : memref<!tpu.dma_semaphore, #tpu.memory_space<semaphore_mem>>)
        %dma_wait3A_101 = arith.constant 0 : i32
        %dma_wait3A_102 = tpu.memref_slice %arg7[%mul3A_88, %dma_wait3A_101] : memref<40x128xi32, #tpu.memory_space<vmem>> -> memref<1x128xi32, #tpu.memory_space<vmem>>
        %dma_wait3A_103 = tpu.memref_squeeze %dma_wait3A_102 : memref<1x128xi32, #tpu.memory_space<vmem>> -> memref<128xi32, #tpu.memory_space<vmem>>
        %dma_wait3A_104 = arith.constant 0 : i32
        %dma_wait3A_105 = arith.constant 0 : i32
        %dma_wait3A_106 = tpu.memref_slice %arg2[%dma_wait3A_104, %dma_wait3A_105] : memref<10000x128xf32, #tpu.memory_space<hbm>> -> memref<10000x128xf32, #tpu.memory_space<hbm>>
        tpu.wait_indirect_dma semaphore(%arg12 : memref<!tpu.dma_semaphore, #tpu.memory_space<semaphore_mem>>) src(%dma_wait3A_106 : memref<10000x128xf32, #tpu.memory_space<hbm>>) dst(%arg9 : memref<128x128xf32, #tpu.memory_space<vmem>>)
        %dma_start3A_107 = arith.constant 0 : i32
        %dma_start3A_108 = tpu.memref_slice %arg8[%mul3A_88, %dma_start3A_107] : memref<40x128xi32, #tpu.memory_space<vmem>> -> memref<1x128xi32, #tpu.memory_space<vmem>>
        %dma_start3A_109 = tpu.memref_squeeze %dma_start3A_108 : memref<1x128xi32, #tpu.memory_space<vmem>> -> memref<128xi32, #tpu.memory_space<vmem>>
        %dma_start3A_110 = arith.constant 0 : i32
        %dma_start3A_111 = arith.constant 0 : i32
        %dma_start3A_112 = tpu.memref_slice %arg11[%dma_start3A_110, %dma_start3A_111] : memref<10112x128xf32, #tpu.memory_space<vmem_shared>> -> memref<10112x128xf32, #tpu.memory_space<vmem_shared>>
        tpu.enqueue_indirect_dma source(%arg9 : memref<128x128xf32, #tpu.memory_space<vmem>>) target(%dma_start3A_112 : memref<10112x128xf32, #tpu.memory_space<vmem_shared>>) offsets(%dma_start3A_109 : memref<128xi32, #tpu.memory_space<vmem>>) semaphore(%arg14 : memref<!tpu.dma_semaphore, #tpu.memory_space<semaphore_mem>>) {add = true}
        %dma_wait3A_113 = arith.constant 0 : i32
        %dma_wait3A_114 = tpu.memref_slice %arg7[%add3A_92, %dma_wait3A_113] : memref<40x128xi32, #tpu.memory_space<vmem>> -> memref<1x128xi32, #tpu.memory_space<vmem>>
        %dma_wait3A_115 = tpu.memref_squeeze %dma_wait3A_114 : memref<1x128xi32, #tpu.memory_space<vmem>> -> memref<128xi32, #tpu.memory_space<vmem>>
        %dma_wait3A_116 = arith.constant 0 : i32
        %dma_wait3A_117 = arith.constant 0 : i32
        %dma_wait3A_118 = tpu.memref_slice %arg2[%dma_wait3A_116, %dma_wait3A_117] : memref<10000x128xf32, #tpu.memory_space<hbm>> -> memref<10000x128xf32, #tpu.memory_space<hbm>>
        tpu.wait_indirect_dma semaphore(%arg13 : memref<!tpu.dma_semaphore, #tpu.memory_space<semaphore_mem>>) src(%dma_wait3A_118 : memref<10000x128xf32, #tpu.memory_space<hbm>>) dst(%arg10 : memref<128x128xf32, #tpu.memory_space<vmem>>)
        %dma_wait3A_119 = arith.constant 0 : i32
        %dma_wait3A_120 = tpu.memref_slice %arg8[%mul3A_88, %dma_wait3A_119] : memref<40x128xi32, #tpu.memory_space<vmem>> -> memref<1x128xi32, #tpu.memory_space<vmem>>
        %dma_wait3A_121 = tpu.memref_squeeze %dma_wait3A_120 : memref<1x128xi32, #tpu.memory_space<vmem>> -> memref<128xi32, #tpu.memory_space<vmem>>
        %dma_wait3A_122 = arith.constant 0 : i32
        %dma_wait3A_123 = arith.constant 0 : i32
        %dma_wait3A_124 = tpu.memref_slice %arg11[%dma_wait3A_122, %dma_wait3A_123] : memref<10112x128xf32, #tpu.memory_space<vmem_shared>> -> memref<10112x128xf32, #tpu.memory_space<vmem_shared>>
        tpu.wait_indirect_dma semaphore(%arg14 : memref<!tpu.dma_semaphore, #tpu.memory_space<semaphore_mem>>) src(%arg9 : memref<128x128xf32, #tpu.memory_space<vmem>>) dst(%dma_wait3A_124 : memref<10112x128xf32, #tpu.memory_space<vmem_shared>>)
        %lt3A = arith.constant 19 : i32
        %lt3A_125 = arith.cmpi slt, %add3A_86, %lt3A : i32
        %convert_element_type3A_126 = arith.extui %lt3A_125 : i1 to i32
        %cond3A_127 = arith.constant 0 : i32
        %cond3A_128 = arith.cmpi ne, %convert_element_type3A_126, %cond3A_127 : i32
        scf.if %cond3A_128 {
          %add3A_135 = arith.constant 2 : i32
          %add3A_136 = arith.addi %mul3A_88, %add3A_135 : i32
          %dma_start3A_137 = arith.constant 0 : i32
          %dma_start3A_138 = tpu.memref_slice %arg7[%add3A_136, %dma_start3A_137] : memref<40x128xi32, #tpu.memory_space<vmem>> -> memref<1x128xi32, #tpu.memory_space<vmem>>
          %dma_start3A_139 = tpu.memref_squeeze %dma_start3A_138 : memref<1x128xi32, #tpu.memory_space<vmem>> -> memref<128xi32, #tpu.memory_space<vmem>>
          %dma_start3A_140 = arith.constant 0 : i32
          %dma_start3A_141 = arith.constant 0 : i32
          %dma_start3A_142 = tpu.memref_slice %arg2[%dma_start3A_140, %dma_start3A_141] : memref<10000x128xf32, #tpu.memory_space<hbm>> -> memref<10000x128xf32, #tpu.memory_space<hbm>>
          tpu.enqueue_indirect_dma source(%dma_start3A_142 : memref<10000x128xf32, #tpu.memory_space<hbm>>) target(%arg9 : memref<128x128xf32, #tpu.memory_space<vmem>>) offsets(%dma_start3A_139 : memref<128xi32, #tpu.memory_space<vmem>>) semaphore(%arg12 : memref<!tpu.dma_semaphore, #tpu.memory_space<semaphore_mem>>)
        } else {
        }
        %dma_start3A_129 = arith.constant 0 : i32
        %dma_start3A_130 = tpu.memref_slice %arg8[%add3A_92, %dma_start3A_129] : memref<40x128xi32, #tpu.memory_space<vmem>> -> memref<1x128xi32, #tpu.memory_space<vmem>>
        %dma_start3A_131 = tpu.memref_squeeze %dma_start3A_130 : memref<1x128xi32, #tpu.memory_space<vmem>> -> memref<128xi32, #tpu.memory_space<vmem>>
        %dma_start3A_132 = arith.constant 0 : i32
        %dma_start3A_133 = arith.constant 0 : i32
        %dma_start3A_134 = tpu.memref_slice %arg11[%dma_start3A_132, %dma_start3A_133] : memref<10112x128xf32, #tpu.memory_space<vmem_shared>> -> memref<10112x128xf32, #tpu.memory_space<vmem_shared>>
        tpu.enqueue_indirect_dma source(%arg10 : memref<128x128xf32, #tpu.memory_space<vmem>>) target(%dma_start3A_134 : memref<10112x128xf32, #tpu.memory_space<vmem_shared>>) offsets(%dma_start3A_131 : memref<128xi32, #tpu.memory_space<vmem>>) semaphore(%arg15 : memref<!tpu.dma_semaphore, #tpu.memory_space<semaphore_mem>>) {add = true}
      }
      %scan3A_75 = arith.constant 20 : i32
      %dma_wait3A = arith.constant 39 : i32
      %dma_wait3A_76 = arith.constant 0 : i32
      %dma_wait3A_77 = tpu.memref_slice %arg8[%dma_wait3A, %dma_wait3A_76] : memref<40x128xi32, #tpu.memory_space<vmem>> -> memref<1x128xi32, #tpu.memory_space<vmem>>
      %dma_wait3A_78 = tpu.memref_squeeze %dma_wait3A_77 : memref<1x128xi32, #tpu.memory_space<vmem>> -> memref<128xi32, #tpu.memory_space<vmem>>
      %dma_wait3A_79 = arith.constant 0 : i32
      %dma_wait3A_80 = arith.constant 0 : i32
      %dma_wait3A_81 = tpu.memref_slice %arg11[%dma_wait3A_79, %dma_wait3A_80] : memref<10112x128xf32, #tpu.memory_space<vmem_shared>> -> memref<10112x128xf32, #tpu.memory_space<vmem_shared>>
      tpu.wait_indirect_dma semaphore(%arg15 : memref<!tpu.dma_semaphore, #tpu.memory_space<semaphore_mem>>) src(%arg10 : memref<128x128xf32, #tpu.memory_space<vmem>>) dst(%dma_wait3A_81 : memref<10112x128xf32, #tpu.memory_space<vmem_shared>>)
    }
    %scan3A_23 = arith.constant 2 : i32
    %barrier3A_24 = arith.constant 0 : index
    tpu.barrier barrier_id(%barrier3A_24)
    "tpu.region"() ({
      %run_scoped3A = tpu.sem_alloc : memref<!tpu.dma_semaphore, #tpu.memory_space<semaphore_mem>>
      %dma_start3A = arith.constant 0 : i32
      %dma_start3A_54 = tpu.memref_slice %arg5[%arg0, %mul3A_2, %dma_start3A] : memref<2x10112x128xf32, #tpu.memory_space<hbm>> -> memref<1x632x128xf32, #tpu.memory_space<hbm>>
      %dma_start3A_55 = tpu.memref_squeeze %dma_start3A_54 : memref<1x632x128xf32, #tpu.memory_space<hbm>> -> memref<632x128xf32, #tpu.memory_space<hbm>>
      %dma_start3A_56 = arith.constant 0 : i32
      %dma_start3A_57 = tpu.memref_slice %arg11[%mul3A_2, %dma_start3A_56] : memref<10112x128xf32, #tpu.memory_space<vmem_shared>> -> memref<632x128xf32, #tpu.memory_space<vmem_shared>>
      tpu.enqueue_dma source(%dma_start3A_57 : memref<632x128xf32, #tpu.memory_space<vmem_shared>>) target(%dma_start3A_55 : memref<632x128xf32, #tpu.memory_space<hbm>>) target_semaphore(%run_scoped3A : memref<!tpu.dma_semaphore, #tpu.memory_space<semaphore_mem>>)
      %dma_wait3A = arith.constant 0 : i32
      %dma_wait3A_58 = tpu.memref_slice %arg5[%arg0, %mul3A_2, %dma_wait3A] : memref<2x10112x128xf32, #tpu.memory_space<hbm>> -> memref<1x632x128xf32, #tpu.memory_space<hbm>>
      %dma_wait3A_59 = tpu.memref_squeeze %dma_wait3A_58 : memref<1x632x128xf32, #tpu.memory_space<hbm>> -> memref<632x128xf32, #tpu.memory_space<hbm>>
      %dma_wait3A_60 = arith.constant 0 : i32
      %dma_wait3A_61 = tpu.memref_slice %arg11[%mul3A_2, %dma_wait3A_60] : memref<10112x128xf32, #tpu.memory_space<vmem_shared>> -> memref<632x128xf32, #tpu.memory_space<vmem_shared>>
      tpu.wait_dma2 semaphore(%run_scoped3A : memref<!tpu.dma_semaphore, #tpu.memory_space<semaphore_mem>>) src(%dma_wait3A_61 : memref<632x128xf32, #tpu.memory_space<vmem_shared>>) dst(%dma_wait3A_59 : memref<632x128xf32, #tpu.memory_space<hbm>>)
      tpu.yield
    }) : () -> ()
    %scan3A_25 = arith.constant 0 : i32
    %scan3A_26 = arith.constant 128 : i32
    %scan3A_27 = arith.addi %scan3A_25, %scan3A_26 : i32
    %scan3A_28 = arith.constant 1 : i32
    scf.for %scan3A_54 = %scan3A_25 to %scan3A_27 step %scan3A_28  : i32 {
      %mul3A_55 = arith.constant 1 : i32
      %mul3A_56 = arith.muli %scan3A_54, %mul3A_55 : i32
      %add3A_57 = arith.constant 0 : i32
      %add3A_58 = arith.addi %add3A_57, %mul3A_56 : i32
      %scan3A_59 = arith.constant 0 : i32
      %scan3A_60 = arith.constant 8 : i32
      %scan3A_61 = arith.addi %scan3A_59, %scan3A_60 : i32
      %scan3A_62 = arith.constant 1 : i32
      scf.for %scan3A_64 = %scan3A_59 to %scan3A_61 step %scan3A_62  : i32 {
        %mul3A_65 = arith.constant 1 : i32
        %mul3A_66 = arith.muli %scan3A_64, %mul3A_65 : i32
        %add3A_67 = arith.constant 0 : i32
        %add3A_68 = arith.addi %add3A_67, %mul3A_66 : i32
        %broadcast_in_dim3A = arith.constant 0.000000e+00 : f32
        %broadcast_in_dim3A_69 = vector.broadcast %broadcast_in_dim3A : f32 to vector<16xf32>
        %mul3A_70 = arith.constant 16 : i32
        %mul3A_71 = arith.muli %add3A_68, %mul3A_70 : i32
        %swap3A = arith.index_cast %add3A_58 : i32 to index
        %swap3A_72 = arith.index_cast %mul3A_71 : i32 to index
        %swap3A_73 = tpu.vector_load %arg9[%swap3A, %swap3A_72] {strides = array<i32>} : memref<128x128xf32, #tpu.memory_space<vmem>>, vector<1x16xf32>,
        %swap3A_74 = vector.shape_cast %swap3A_73 : vector<1x16xf32> to vector<16xf32>
        %swap3A_75 = vector.shape_cast %broadcast_in_dim3A_69 : vector<16xf32> to vector<1x16xf32>
        tpu.vector_store %arg9[%swap3A, %swap3A_72], %swap3A_75 {strides = array<i32>} : memref<128x128xf32, #tpu.memory_space<vmem>>, vector<1x16xf32>,
      }
      %scan3A_63 = arith.constant 8 : i32
    }
    %scan3A_29 = arith.constant 128 : i32
    %mul3A_30 = arith.constant 632 : i32
    %mul3A_31 = arith.muli %arg1, %mul3A_30 : i32
    %add3A_32 = arith.constant 0 : i32
    %add3A_33 = arith.addi %mul3A_31, %add3A_32 : i32
    "tpu.region"() ({
      %run_scoped3A = tpu.sem_alloc : memref<!tpu.dma_semaphore, #tpu.memory_space<semaphore_mem>>
      %dma_start3A = arith.constant 0 : i32
      %dma_start3A_54 = tpu.memref_slice %arg11[%add3A_33, %dma_start3A] : memref<10112x128xf32, #tpu.memory_space<vmem_shared>> -> memref<128x128xf32, #tpu.memory_space<vmem_shared>>
      %dma_start3A_55 = arith.constant 0 : i32
      %dma_start3A_56 = tpu.memref_slice %arg11[%add3A_33, %dma_start3A_55] : memref<10112x128xf32, #tpu.memory_space<vmem_shared>> -> memref<128x128xf32, #tpu.memory_space<vmem_shared>>
      tpu.enqueue_dma source(%arg9 : memref<128x128xf32, #tpu.memory_space<vmem>>) target(%dma_start3A_56 : memref<128x128xf32, #tpu.memory_space<vmem_shared>>) target_semaphore(%run_scoped3A : memref<!tpu.dma_semaphore, #tpu.memory_space<semaphore_mem>>)
      %dma_wait3A = arith.constant 0 : i32
      %dma_wait3A_57 = tpu.memref_slice %arg11[%add3A_33, %dma_wait3A] : memref<10112x128xf32, #tpu.memory_space<vmem_shared>> -> memref<128x128xf32, #tpu.memory_space<vmem_shared>>
      %dma_wait3A_58 = arith.constant 0 : i32
      %dma_wait3A_59 = tpu.memref_slice %arg11[%add3A_33, %dma_wait3A_58] : memref<10112x128xf32, #tpu.memory_space<vmem_shared>> -> memref<128x128xf32, #tpu.memory_space<vmem_shared>>
      tpu.wait_dma2 semaphore(%run_scoped3A : memref<!tpu.dma_semaphore, #tpu.memory_space<semaphore_mem>>) src(%arg9 : memref<128x128xf32, #tpu.memory_space<vmem>>) dst(%dma_wait3A_59 : memref<128x128xf32, #tpu.memory_space<vmem_shared>>)
      tpu.yield
    }) : () -> ()
    %add3A_34 = arith.constant 128 : i32
    %add3A_35 = arith.addi %mul3A_31, %add3A_34 : i32
    "tpu.region"() ({
      %run_scoped3A = tpu.sem_alloc : memref<!tpu.dma_semaphore, #tpu.memory_space<semaphore_mem>>
      %dma_start3A = arith.constant 0 : i32
      %dma_start3A_54 = tpu.memref_slice %arg11[%add3A_35, %dma_start3A] : memref<10112x128xf32, #tpu.memory_space<vmem_shared>> -> memref<128x128xf32, #tpu.memory_space<vmem_shared>>
      %dma_start3A_55 = arith.constant 0 : i32
      %dma_start3A_56 = tpu.memref_slice %arg11[%add3A_35, %dma_start3A_55] : memref<10112x128xf32, #tpu.memory_space<vmem_shared>> -> memref<128x128xf32, #tpu.memory_space<vmem_shared>>
      tpu.enqueue_dma source(%arg9 : memref<128x128xf32, #tpu.memory_space<vmem>>) target(%dma_start3A_56 : memref<128x128xf32, #tpu.memory_space<vmem_shared>>) target_semaphore(%run_scoped3A : memref<!tpu.dma_semaphore, #tpu.memory_space<semaphore_mem>>)
      %dma_wait3A = arith.constant 0 : i32
      %dma_wait3A_57 = tpu.memref_slice %arg11[%add3A_35, %dma_wait3A] : memref<10112x128xf32, #tpu.memory_space<vmem_shared>> -> memref<128x128xf32, #tpu.memory_space<vmem_shared>>
      %dma_wait3A_58 = arith.constant 0 : i32
      %dma_wait3A_59 = tpu.memref_slice %arg11[%add3A_35, %dma_wait3A_58] : memref<10112x128xf32, #tpu.memory_space<vmem_shared>> -> memref<128x128xf32, #tpu.memory_space<vmem_shared>>
      tpu.wait_dma2 semaphore(%run_scoped3A : memref<!tpu.dma_semaphore, #tpu.memory_space<semaphore_mem>>) src(%arg9 : memref<128x128xf32, #tpu.memory_space<vmem>>) dst(%dma_wait3A_59 : memref<128x128xf32, #tpu.memory_space<vmem_shared>>)
      tpu.yield
    }) : () -> ()
    %add3A_36 = arith.constant 256 : i32
    %add3A_37 = arith.addi %mul3A_31, %add3A_36 : i32
    "tpu.region"() ({
      %run_scoped3A = tpu.sem_alloc : memref<!tpu.dma_semaphore, #tpu.memory_space<semaphore_mem>>
      %dma_start3A = arith.constant 0 : i32
      %dma_start3A_54 = tpu.memref_slice %arg11[%add3A_37, %dma_start3A] : memref<10112x128xf32, #tpu.memory_space<vmem_shared>> -> memref<128x128xf32, #tpu.memory_space<vmem_shared>>
      %dma_start3A_55 = arith.constant 0 : i32
      %dma_start3A_56 = tpu.memref_slice %arg11[%add3A_37, %dma_start3A_55] : memref<10112x128xf32, #tpu.memory_space<vmem_shared>> -> memref<128x128xf32, #tpu.memory_space<vmem_shared>>
      tpu.enqueue_dma source(%arg9 : memref<128x128xf32, #tpu.memory_space<vmem>>) target(%dma_start3A_56 : memref<128x128xf32, #tpu.memory_space<vmem_shared>>) target_semaphore(%run_scoped3A : memref<!tpu.dma_semaphore, #tpu.memory_space<semaphore_mem>>)
      %dma_wait3A = arith.constant 0 : i32
      %dma_wait3A_57 = tpu.memref_slice %arg11[%add3A_37, %dma_wait3A] : memref<10112x128xf32, #tpu.memory_space<vmem_shared>> -> memref<128x128xf32, #tpu.memory_space<vmem_shared>>
      %dma_wait3A_58 = arith.constant 0 : i32
      %dma_wait3A_59 = tpu.memref_slice %arg11[%add3A_37, %dma_wait3A_58] : memref<10112x128xf32, #tpu.memory_space<vmem_shared>> -> memref<128x128xf32, #tpu.memory_space<vmem_shared>>
      tpu.wait_dma2 semaphore(%run_scoped3A : memref<!tpu.dma_semaphore, #tpu.memory_space<semaphore_mem>>) src(%arg9 : memref<128x128xf32, #tpu.memory_space<vmem>>) dst(%dma_wait3A_59 : memref<128x128xf32, #tpu.memory_space<vmem_shared>>)
      tpu.yield
    }) : () -> ()
    %add3A_38 = arith.constant 384 : i32
    %add3A_39 = arith.addi %mul3A_31, %add3A_38 : i32
    "tpu.region"() ({
      %run_scoped3A = tpu.sem_alloc : memref<!tpu.dma_semaphore, #tpu.memory_space<semaphore_mem>>
      %dma_start3A = arith.constant 0 : i32
      %dma_start3A_54 = tpu.memref_slice %arg11[%add3A_39, %dma_start3A] : memref<10112x128xf32, #tpu.memory_space<vmem_shared>> -> memref<128x128xf32, #tpu.memory_space<vmem_shared>>
      %dma_start3A_55 = arith.constant 0 : i32
      %dma_start3A_56 = tpu.memref_slice %arg11[%add3A_39, %dma_start3A_55] : memref<10112x128xf32, #tpu.memory_space<vmem_shared>> -> memref<128x128xf32, #tpu.memory_space<vmem_shared>>
      tpu.enqueue_dma source(%arg9 : memref<128x128xf32, #tpu.memory_space<vmem>>) target(%dma_start3A_56 : memref<128x128xf32, #tpu.memory_space<vmem_shared>>) target_semaphore(%run_scoped3A : memref<!tpu.dma_semaphore, #tpu.memory_space<semaphore_mem>>)
      %dma_wait3A = arith.constant 0 : i32
      %dma_wait3A_57 = tpu.memref_slice %arg11[%add3A_39, %dma_wait3A] : memref<10112x128xf32, #tpu.memory_space<vmem_shared>> -> memref<128x128xf32, #tpu.memory_space<vmem_shared>>
      %dma_wait3A_58 = arith.constant 0 : i32
      %dma_wait3A_59 = tpu.memref_slice %arg11[%add3A_39, %dma_wait3A_58] : memref<10112x128xf32, #tpu.memory_space<vmem_shared>> -> memref<128x128xf32, #tpu.memory_space<vmem_shared>>
      tpu.wait_dma2 semaphore(%run_scoped3A : memref<!tpu.dma_semaphore, #tpu.memory_space<semaphore_mem>>) src(%arg9 : memref<128x128xf32, #tpu.memory_space<vmem>>) dst(%dma_wait3A_59 : memref<128x128xf32, #tpu.memory_space<vmem_shared>>)
      tpu.yield
    }) : () -> ()
    %add3A_40 = arith.constant 512 : i32
    %add3A_41 = arith.addi %mul3A_31, %add3A_40 : i32
    "tpu.region"() ({
      %run_scoped3A = tpu.sem_alloc : memref<!tpu.dma_semaphore, #tpu.memory_space<semaphore_mem>>
      %dma_start3A = arith.constant 0 : i32
      %dma_start3A_54 = arith.constant 0 : i32
      %dma_start3A_55 = tpu.memref_slice %arg9[%dma_start3A, %dma_start3A_54] : memref<128x128xf32, #tpu.memory_space<vmem>> -> memref<120x128xf32, #tpu.memory_space<vmem>>
      %dma_start3A_56 = arith.constant 0 : i32
      %dma_start3A_57 = tpu.memref_slice %arg11[%add3A_41, %dma_start3A_56] : memref<10112x128xf32, #tpu.memory_space<vmem_shared>> -> memref<120x128xf32, #tpu.memory_space<vmem_shared>>
      %dma_start3A_58 = arith.constant 0 : i32
      %dma_start3A_59 = tpu.memref_slice %arg11[%add3A_41, %dma_start3A_58] : memref<10112x128xf32, #tpu.memory_space<vmem_shared>> -> memref<120x128xf32, #tpu.memory_space<vmem_shared>>
      %dma_start3A_60 = arith.constant 0 : i32
      %dma_start3A_61 = arith.constant 0 : i32
      %dma_start3A_62 = tpu.memref_slice %arg9[%dma_start3A_60, %dma_start3A_61] : memref<128x128xf32, #tpu.memory_space<vmem>> -> memref<120x128xf32, #tpu.memory_space<vmem>>
      tpu.enqueue_dma source(%dma_start3A_62 : memref<120x128xf32, #tpu.memory_space<vmem>>) target(%dma_start3A_59 : memref<120x128xf32, #tpu.memory_space<vmem_shared>>) target_semaphore(%run_scoped3A : memref<!tpu.dma_semaphore, #tpu.memory_space<semaphore_mem>>)
      %dma_wait3A = arith.constant 0 : i32
      %dma_wait3A_63 = arith.constant 0 : i32
      %dma_wait3A_64 = tpu.memref_slice %arg9[%dma_wait3A, %dma_wait3A_63] : memref<128x128xf32, #tpu.memory_space<vmem>> -> memref<120x128xf32, #tpu.memory_space<vmem>>
      %dma_wait3A_65 = arith.constant 0 : i32
      %dma_wait3A_66 = tpu.memref_slice %arg11[%add3A_41, %dma_wait3A_65] : memref<10112x128xf32, #tpu.memory_space<vmem_shared>> -> memref<120x128xf32, #tpu.memory_space<vmem_shared>>
      %dma_wait3A_67 = arith.constant 0 : i32
      %dma_wait3A_68 = tpu.memref_slice %arg11[%add3A_41, %dma_wait3A_67] : memref<10112x128xf32, #tpu.memory_space<vmem_shared>> -> memref<120x128xf32, #tpu.memory_space<vmem_shared>>
      %dma_wait3A_69 = arith.constant 0 : i32
      %dma_wait3A_70 = arith.constant 0 : i32
      %dma_wait3A_71 = tpu.memref_slice %arg9[%dma_wait3A_69, %dma_wait3A_70] : memref<128x128xf32, #tpu.memory_space<vmem>> -> memref<120x128xf32, #tpu.memory_space<vmem>>
      tpu.wait_dma2 semaphore(%run_scoped3A : memref<!tpu.dma_semaphore, #tpu.memory_space<semaphore_mem>>) src(%dma_wait3A_71 : memref<120x128xf32, #tpu.memory_space<vmem>>) dst(%dma_wait3A_68 : memref<120x128xf32, #tpu.memory_space<vmem_shared>>)
      tpu.yield
    }) : () -> ()
    %scan3A_42 = arith.constant 0 : i32
    %scan3A_43 = arith.constant 128 : i32
    %scan3A_44 = arith.addi %scan3A_42, %scan3A_43 : i32
    %scan3A_45 = arith.constant 1 : i32
    scf.for %scan3A_54 = %scan3A_42 to %scan3A_44 step %scan3A_45  : i32 {
      %mul3A_55 = arith.constant 1 : i32
      %mul3A_56 = arith.muli %scan3A_54, %mul3A_55 : i32
      %add3A_57 = arith.constant 0 : i32
      %add3A_58 = arith.addi %add3A_57, %mul3A_56 : i32
      %scan3A_59 = arith.constant 0 : i32
      %scan3A_60 = arith.constant 8 : i32
      %scan3A_61 = arith.addi %scan3A_59, %scan3A_60 : i32
      %scan3A_62 = arith.constant 1 : i32
      scf.for %scan3A_64 = %scan3A_59 to %scan3A_61 step %scan3A_62  : i32 {
        %mul3A_65 = arith.constant 1 : i32
        %mul3A_66 = arith.muli %scan3A_64, %mul3A_65 : i32
        %add3A_67 = arith.constant 0 : i32
        %add3A_68 = arith.addi %add3A_67, %mul3A_66 : i32
        %broadcast_in_dim3A = arith.constant 1.000000e+00 : f32
        %broadcast_in_dim3A_69 = vector.broadcast %broadcast_in_dim3A : f32 to vector<16xf32>
        %mul3A_70 = arith.constant 16 : i32
        %mul3A_71 = arith.muli %add3A_68, %mul3A_70 : i32
        %swap3A = arith.index_cast %add3A_58 : i32 to index
        %swap3A_72 = arith.index_cast %mul3A_71 : i32 to index
        %swap3A_73 = tpu.vector_load %arg9[%swap3A, %swap3A_72] {strides = array<i32>} : memref<128x128xf32, #tpu.memory_space<vmem>>, vector<1x16xf32>,
        %swap3A_74 = vector.shape_cast %swap3A_73 : vector<1x16xf32> to vector<16xf32>
        %swap3A_75 = vector.shape_cast %broadcast_in_dim3A_69 : vector<16xf32> to vector<1x16xf32>
        tpu.vector_store %arg9[%swap3A, %swap3A_72], %swap3A_75 {strides = array<i32>} : memref<128x128xf32, #tpu.memory_space<vmem>>, vector<1x16xf32>,
      }
      %scan3A_63 = arith.constant 8 : i32
    }
    %scan3A_46 = arith.constant 128 : i32
    %barrier3A_47 = arith.constant 0 : index
    tpu.barrier barrier_id(%barrier3A_47)
    %scan3A_48 = arith.constant 0 : i32
    %scan3A_49 = arith.constant 2 : i32
    %scan3A_50 = arith.addi %scan3A_48, %scan3A_49 : i32
    %scan3A_51 = arith.constant 1 : i32
    scf.for %scan3A_54 = %scan3A_48 to %scan3A_50 step %scan3A_51  : i32 {
      %mul3A_55 = arith.constant 1 : i32
      %mul3A_56 = arith.muli %scan3A_54, %mul3A_55 : i32
      %add3A_57 = arith.constant 0 : i32
      %add3A_58 = arith.addi %add3A_57, %mul3A_56 : i32
      %mul3A_59 = arith.constant 2 : i32
      %mul3A_60 = arith.muli %add3A, %mul3A_59 : i32
      %add3A_61 = arith.addi %mul3A_60, %add3A_58 : i32
      "tpu.region"() ({
        %run_scoped3A = tpu.sem_alloc : memref<!tpu.dma_semaphore, #tpu.memory_space<semaphore_mem>>
        %dma_start3A = arith.constant 0 : i32
        %dma_start3A_72 = arith.constant 0 : i32
        %dma_start3A_73 = tpu.memref_slice %arg4[%add3A_61, %dma_start3A, %dma_start3A_72] : memref<64x40x128xi32, #tpu.memory_space<hbm>> -> memref<1x40x128xi32, #tpu.memory_space<hbm>>
        %dma_start3A_74 = tpu.memref_squeeze %dma_start3A_73 : memref<1x40x128xi32, #tpu.memory_space<hbm>> -> memref<40x128xi32, #tpu.memory_space<hbm>>
        %dma_start3A_75 = arith.constant 0 : i32
        %dma_start3A_76 = arith.constant 0 : i32
        %dma_start3A_77 = tpu.memref_slice %arg4[%add3A_61, %dma_start3A_75, %dma_start3A_76] : memref<64x40x128xi32, #tpu.memory_space<hbm>> -> memref<1x40x128xi32, #tpu.memory_space<hbm>>
        %dma_start3A_78 = tpu.memref_squeeze %dma_start3A_77 : memref<1x40x128xi32, #tpu.memory_space<hbm>> -> memref<40x128xi32, #tpu.memory_space<hbm>>
        tpu.enqueue_dma source(%dma_start3A_78 : memref<40x128xi32, #tpu.memory_space<hbm>>) target(%arg8 : memref<40x128xi32, #tpu.memory_space<vmem>>) target_semaphore(%run_scoped3A : memref<!tpu.dma_semaphore, #tpu.memory_space<semaphore_mem>>)
        %dma_wait3A = arith.constant 0 : i32
        %dma_wait3A_79 = arith.constant 0 : i32
        %dma_wait3A_80 = tpu.memref_slice %arg4[%add3A_61, %dma_wait3A, %dma_wait3A_79] : memref<64x40x128xi32, #tpu.memory_space<hbm>> -> memref<1x40x128xi32, #tpu.memory_space<hbm>>
        %dma_wait3A_81 = tpu.memref_squeeze %dma_wait3A_80 : memref<1x40x128xi32, #tpu.memory_space<hbm>> -> memref<40x128xi32, #tpu.memory_space<hbm>>
        %dma_wait3A_82 = arith.constant 0 : i32
        %dma_wait3A_83 = arith.constant 0 : i32
        %dma_wait3A_84 = tpu.memref_slice %arg4[%add3A_61, %dma_wait3A_82, %dma_wait3A_83] : memref<64x40x128xi32, #tpu.memory_space<hbm>> -> memref<1x40x128xi32, #tpu.memory_space<hbm>>
        %dma_wait3A_85 = tpu.memref_squeeze %dma_wait3A_84 : memref<1x40x128xi32, #tpu.memory_space<hbm>> -> memref<40x128xi32, #tpu.memory_space<hbm>>
        tpu.wait_dma2 semaphore(%run_scoped3A : memref<!tpu.dma_semaphore, #tpu.memory_space<semaphore_mem>>) src(%dma_wait3A_85 : memref<40x128xi32, #tpu.memory_space<hbm>>) dst(%arg8 : memref<40x128xi32, #tpu.memory_space<vmem>>)
        tpu.yield
      }) : () -> ()
      %scan3A_62 = arith.constant 0 : i32
      %scan3A_63 = arith.constant 40 : i32
      %scan3A_64 = arith.addi %scan3A_62, %scan3A_63 : i32
      %scan3A_65 = arith.constant 1 : i32
      scf.for %scan3A_72 = %scan3A_62 to %scan3A_64 step %scan3A_65  : i32 {
        %mul3A_73 = arith.constant 1 : i32
        %mul3A_74 = arith.muli %scan3A_72, %mul3A_73 : i32
        %add3A_75 = arith.constant 0 : i32
        %add3A_76 = arith.addi %add3A_75, %mul3A_74 : i32
        %dma_start3A = arith.constant 0 : i32
        %dma_start3A_77 = tpu.memref_slice %arg8[%add3A_76, %dma_start3A] : memref<40x128xi32, #tpu.memory_space<vmem>> -> memref<1x128xi32, #tpu.memory_space<vmem>>
        %dma_start3A_78 = tpu.memref_squeeze %dma_start3A_77 : memref<1x128xi32, #tpu.memory_space<vmem>> -> memref<128xi32, #tpu.memory_space<vmem>>
        %dma_start3A_79 = arith.constant 0 : i32
        %dma_start3A_80 = arith.constant 0 : i32
        %dma_start3A_81 = tpu.memref_slice %arg11[%dma_start3A_79, %dma_start3A_80] : memref<10112x128xf32, #tpu.memory_space<vmem_shared>> -> memref<10112x128xf32, #tpu.memory_space<vmem_shared>>
        tpu.enqueue_indirect_dma source(%arg9 : memref<128x128xf32, #tpu.memory_space<vmem>>) target(%dma_start3A_81 : memref<10112x128xf32, #tpu.memory_space<vmem_shared>>) offsets(%dma_start3A_78 : memref<128xi32, #tpu.memory_space<vmem>>) semaphore(%arg12 : memref<!tpu.dma_semaphore, #tpu.memory_space<semaphore_mem>>) {add = true}
      }
      %scan3A_66 = arith.constant 40 : i32
      %scan3A_67 = arith.constant 0 : i32
      %scan3A_68 = arith.constant 40 : i32
      %scan3A_69 = arith.addi %scan3A_67, %scan3A_68 : i32
      %scan3A_70 = arith.constant 1 : i32
      scf.for %scan3A_72 = %scan3A_67 to %scan3A_69 step %scan3A_70  : i32 {
        %mul3A_73 = arith.constant 1 : i32
        %mul3A_74 = arith.muli %scan3A_72, %mul3A_73 : i32
        %add3A_75 = arith.constant 0 : i32
        %add3A_76 = arith.addi %add3A_75, %mul3A_74 : i32
        %dma_wait3A = arith.constant 0 : i32
        %dma_wait3A_77 = tpu.memref_slice %arg8[%add3A_76, %dma_wait3A] : memref<40x128xi32, #tpu.memory_space<vmem>> -> memref<1x128xi32, #tpu.memory_space<vmem>>
        %dma_wait3A_78 = tpu.memref_squeeze %dma_wait3A_77 : memref<1x128xi32, #tpu.memory_space<vmem>> -> memref<128xi32, #tpu.memory_space<vmem>>
        %dma_wait3A_79 = arith.constant 0 : i32
        %dma_wait3A_80 = arith.constant 0 : i32
        %dma_wait3A_81 = tpu.memref_slice %arg11[%dma_wait3A_79, %dma_wait3A_80] : memref<10112x128xf32, #tpu.memory_space<vmem_shared>> -> memref<10112x128xf32, #tpu.memory_space<vmem_shared>>
        tpu.wait_indirect_dma semaphore(%arg12 : memref<!tpu.dma_semaphore, #tpu.memory_space<semaphore_mem>>) src(%arg9 : memref<128x128xf32, #tpu.memory_space<vmem>>) dst(%dma_wait3A_81 : memref<10112x128xf32, #tpu.memory_space<vmem_shared>>)
      }
      %scan3A_71 = arith.constant 40 : i32
    }
    %scan3A_52 = arith.constant 2 : i32
    %barrier3A_53 = arith.constant 0 : index
    tpu.barrier barrier_id(%barrier3A_53)
    "tpu.region"() ({
      %run_scoped3A = tpu.sem_alloc : memref<!tpu.dma_semaphore, #tpu.memory_space<semaphore_mem>>
      %dma_start3A = arith.constant 0 : i32
      %dma_start3A_54 = tpu.memref_slice %arg6[%arg0, %mul3A_2, %dma_start3A] : memref<2x10112x128xf32, #tpu.memory_space<hbm>> -> memref<1x632x128xf32, #tpu.memory_space<hbm>>
      %dma_start3A_55 = tpu.memref_squeeze %dma_start3A_54 : memref<1x632x128xf32, #tpu.memory_space<hbm>> -> memref<632x128xf32, #tpu.memory_space<hbm>>
      %dma_start3A_56 = arith.constant 0 : i32
      %dma_start3A_57 = tpu.memref_slice %arg11[%mul3A_2, %dma_start3A_56] : memref<10112x128xf32, #tpu.memory_space<vmem_shared>> -> memref<632x128xf32, #tpu.memory_space<vmem_shared>>
      tpu.enqueue_dma source(%dma_start3A_57 : memref<632x128xf32, #tpu.memory_space<vmem_shared>>) target(%dma_start3A_55 : memref<632x128xf32, #tpu.memory_space<hbm>>) target_semaphore(%run_scoped3A : memref<!tpu.dma_semaphore, #tpu.memory_space<semaphore_mem>>)
      %dma_wait3A = arith.constant 0 : i32
      %dma_wait3A_58 = tpu.memref_slice %arg6[%arg0, %mul3A_2, %dma_wait3A] : memref<2x10112x128xf32, #tpu.memory_space<hbm>> -> memref<1x632x128xf32, #tpu.memory_space<hbm>>
      %dma_wait3A_59 = tpu.memref_squeeze %dma_wait3A_58 : memref<1x632x128xf32, #tpu.memory_space<hbm>> -> memref<632x128xf32, #tpu.memory_space<hbm>>
      %dma_wait3A_60 = arith.constant 0 : i32
      %dma_wait3A_61 = tpu.memref_slice %arg11[%mul3A_2, %dma_wait3A_60] : memref<10112x128xf32, #tpu.memory_space<vmem_shared>> -> memref<632x128xf32, #tpu.memory_space<vmem_shared>>
      tpu.wait_dma2 semaphore(%run_scoped3A : memref<!tpu.dma_semaphore, #tpu.memory_space<semaphore_mem>>) src(%dma_wait3A_61 : memref<632x128xf32, #tpu.memory_space<vmem_shared>>) dst(%dma_wait3A_59 : memref<632x128xf32, #tpu.memory_space<hbm>>)
      tpu.yield
    }) : () -> ()
    return
  }
}

#map = affine_map<(d0, d1) -> (0, 0)>
#map1 = affine_map<(d0, d1) -> (0, 0, 0)>
module attributes {stable_mosaic.version = 14 : i64} {
  func.func @body(%arg0: i32, %arg1: i32, %arg2: memref<10000x128xf32, #tpu.memory_space<hbm>>, %arg3: memref<64x40x128xi32, #tpu.memory_space<hbm>>, %arg4: memref<64x40x128xi32, #tpu.memory_space<hbm>>, %arg5: memref<2x10112x128xf32, #tpu.memory_space<hbm>>, %arg6: memref<40x128xi32, #tpu.memory_space<vmem>>, %arg7: memref<40x128xi32, #tpu.memory_space<vmem>>, %arg8: memref<128x128xf32, #tpu.memory_space<vmem>>, %arg9: memref<128x128xf32, #tpu.memory_space<vmem>>, %arg10: memref<10112x128xf32, #tpu.memory_space<vmem_shared>>, %arg11: memref<!tpu.dma_semaphore, #tpu.memory_space<semaphore_mem>>, %arg12: memref<!tpu.dma_semaphore, #tpu.memory_space<semaphore_mem>>, %arg13: memref<!tpu.dma_semaphore, #tpu.memory_space<semaphore_mem>>, %arg14: memref<!tpu.dma_semaphore, #tpu.memory_space<semaphore_mem>>) attributes {dimension_semantics = [#tpu.dimension_semantics<core_parallel>, #tpu.dimension_semantics<subcore_parallel>], iteration_bounds = array<i64: 2, 16>, scalar_prefetch = 0 : i64, scratch_operands = 9 : i64, tpu.core_type = #tpu.core_type<sc_vector_subcore>, window_params = [{transform_indices = #map}, {transform_indices = #map1}, {transform_indices = #map1}, {transform_indices = #map1}]} {
    %mul3A = arith.constant 2 : i32
    %mul3A_0 = arith.muli %arg1, %mul3A : i32
    %add3A = arith.addi %mul3A_0, %arg0 : i32
    %mul3A_1 = arith.constant 632 : i32
    %mul3A_2 = arith.muli %arg1, %mul3A_1 : i32
    %scan3A = arith.constant 0 : i32
    %scan3A_3 = arith.constant 128 : i32
    %scan3A_4 = arith.addi %scan3A, %scan3A_3 : i32
    %scan3A_5 = arith.constant 1 : i32
    scf.for %scan3A_25 = %scan3A to %scan3A_4 step %scan3A_5  : i32 {
      %mul3A_26 = arith.constant 1 : i32
      %mul3A_27 = arith.muli %scan3A_25, %mul3A_26 : i32
      %add3A_28 = arith.constant 0 : i32
      %add3A_29 = arith.addi %add3A_28, %mul3A_27 : i32
      %scan3A_30 = arith.constant 0 : i32
      %scan3A_31 = arith.constant 8 : i32
      %scan3A_32 = arith.addi %scan3A_30, %scan3A_31 : i32
      %scan3A_33 = arith.constant 1 : i32
      scf.for %scan3A_35 = %scan3A_30 to %scan3A_32 step %scan3A_33  : i32 {
        %mul3A_36 = arith.constant 1 : i32
        %mul3A_37 = arith.muli %scan3A_35, %mul3A_36 : i32
        %add3A_38 = arith.constant 0 : i32
        %add3A_39 = arith.addi %add3A_38, %mul3A_37 : i32
        %broadcast_in_dim3A = arith.constant 0.000000e+00 : f32
        %broadcast_in_dim3A_40 = vector.broadcast %broadcast_in_dim3A : f32 to vector<16xf32>
        %mul3A_41 = arith.constant 16 : i32
        %mul3A_42 = arith.muli %add3A_39, %mul3A_41 : i32
        %swap3A = arith.index_cast %add3A_29 : i32 to index
        %swap3A_43 = arith.index_cast %mul3A_42 : i32 to index
        %swap3A_44 = tpu.vector_load %arg8[%swap3A, %swap3A_43] {strides = array<i32>} : memref<128x128xf32, #tpu.memory_space<vmem>>, vector<1x16xf32>,
        %swap3A_45 = vector.shape_cast %swap3A_44 : vector<1x16xf32> to vector<16xf32>
        %swap3A_46 = vector.shape_cast %broadcast_in_dim3A_40 : vector<16xf32> to vector<1x16xf32>
        tpu.vector_store %arg8[%swap3A, %swap3A_43], %swap3A_46 {strides = array<i32>} : memref<128x128xf32, #tpu.memory_space<vmem>>, vector<1x16xf32>,
      }
      %scan3A_34 = arith.constant 8 : i32
    }
    %scan3A_6 = arith.constant 128 : i32
    %mul3A_7 = arith.constant 632 : i32
    %mul3A_8 = arith.muli %arg1, %mul3A_7 : i32
    %add3A_9 = arith.constant 0 : i32
    %add3A_10 = arith.addi %mul3A_8, %add3A_9 : i32
    "tpu.region"() ({
      %run_scoped3A = tpu.sem_alloc : memref<!tpu.dma_semaphore, #tpu.memory_space<semaphore_mem>>
      %dma_start3A = arith.constant 0 : i32
      %dma_start3A_25 = tpu.memref_slice %arg10[%add3A_10, %dma_start3A] : memref<10112x128xf32, #tpu.memory_space<vmem_shared>> -> memref<128x128xf32, #tpu.memory_space<vmem_shared>>
      %dma_start3A_26 = arith.constant 0 : i32
      %dma_start3A_27 = tpu.memref_slice %arg10[%add3A_10, %dma_start3A_26] : memref<10112x128xf32, #tpu.memory_space<vmem_shared>> -> memref<128x128xf32, #tpu.memory_space<vmem_shared>>
      tpu.enqueue_dma source(%arg8 : memref<128x128xf32, #tpu.memory_space<vmem>>) target(%dma_start3A_27 : memref<128x128xf32, #tpu.memory_space<vmem_shared>>) target_semaphore(%run_scoped3A : memref<!tpu.dma_semaphore, #tpu.memory_space<semaphore_mem>>)
      %dma_wait3A = arith.constant 0 : i32
      %dma_wait3A_28 = tpu.memref_slice %arg10[%add3A_10, %dma_wait3A] : memref<10112x128xf32, #tpu.memory_space<vmem_shared>> -> memref<128x128xf32, #tpu.memory_space<vmem_shared>>
      %dma_wait3A_29 = arith.constant 0 : i32
      %dma_wait3A_30 = tpu.memref_slice %arg10[%add3A_10, %dma_wait3A_29] : memref<10112x128xf32, #tpu.memory_space<vmem_shared>> -> memref<128x128xf32, #tpu.memory_space<vmem_shared>>
      tpu.wait_dma2 semaphore(%run_scoped3A : memref<!tpu.dma_semaphore, #tpu.memory_space<semaphore_mem>>) src(%arg8 : memref<128x128xf32, #tpu.memory_space<vmem>>) dst(%dma_wait3A_30 : memref<128x128xf32, #tpu.memory_space<vmem_shared>>)
      tpu.yield
    }) : () -> ()
    %add3A_11 = arith.constant 128 : i32
    %add3A_12 = arith.addi %mul3A_8, %add3A_11 : i32
    "tpu.region"() ({
      %run_scoped3A = tpu.sem_alloc : memref<!tpu.dma_semaphore, #tpu.memory_space<semaphore_mem>>
      %dma_start3A = arith.constant 0 : i32
      %dma_start3A_25 = tpu.memref_slice %arg10[%add3A_12, %dma_start3A] : memref<10112x128xf32, #tpu.memory_space<vmem_shared>> -> memref<128x128xf32, #tpu.memory_space<vmem_shared>>
      %dma_start3A_26 = arith.constant 0 : i32
      %dma_start3A_27 = tpu.memref_slice %arg10[%add3A_12, %dma_start3A_26] : memref<10112x128xf32, #tpu.memory_space<vmem_shared>> -> memref<128x128xf32, #tpu.memory_space<vmem_shared>>
      tpu.enqueue_dma source(%arg8 : memref<128x128xf32, #tpu.memory_space<vmem>>) target(%dma_start3A_27 : memref<128x128xf32, #tpu.memory_space<vmem_shared>>) target_semaphore(%run_scoped3A : memref<!tpu.dma_semaphore, #tpu.memory_space<semaphore_mem>>)
      %dma_wait3A = arith.constant 0 : i32
      %dma_wait3A_28 = tpu.memref_slice %arg10[%add3A_12, %dma_wait3A] : memref<10112x128xf32, #tpu.memory_space<vmem_shared>> -> memref<128x128xf32, #tpu.memory_space<vmem_shared>>
      %dma_wait3A_29 = arith.constant 0 : i32
      %dma_wait3A_30 = tpu.memref_slice %arg10[%add3A_12, %dma_wait3A_29] : memref<10112x128xf32, #tpu.memory_space<vmem_shared>> -> memref<128x128xf32, #tpu.memory_space<vmem_shared>>
      tpu.wait_dma2 semaphore(%run_scoped3A : memref<!tpu.dma_semaphore, #tpu.memory_space<semaphore_mem>>) src(%arg8 : memref<128x128xf32, #tpu.memory_space<vmem>>) dst(%dma_wait3A_30 : memref<128x128xf32, #tpu.memory_space<vmem_shared>>)
      tpu.yield
    }) : () -> ()
    %add3A_13 = arith.constant 256 : i32
    %add3A_14 = arith.addi %mul3A_8, %add3A_13 : i32
    "tpu.region"() ({
      %run_scoped3A = tpu.sem_alloc : memref<!tpu.dma_semaphore, #tpu.memory_space<semaphore_mem>>
      %dma_start3A = arith.constant 0 : i32
      %dma_start3A_25 = tpu.memref_slice %arg10[%add3A_14, %dma_start3A] : memref<10112x128xf32, #tpu.memory_space<vmem_shared>> -> memref<128x128xf32, #tpu.memory_space<vmem_shared>>
      %dma_start3A_26 = arith.constant 0 : i32
      %dma_start3A_27 = tpu.memref_slice %arg10[%add3A_14, %dma_start3A_26] : memref<10112x128xf32, #tpu.memory_space<vmem_shared>> -> memref<128x128xf32, #tpu.memory_space<vmem_shared>>
      tpu.enqueue_dma source(%arg8 : memref<128x128xf32, #tpu.memory_space<vmem>>) target(%dma_start3A_27 : memref<128x128xf32, #tpu.memory_space<vmem_shared>>) target_semaphore(%run_scoped3A : memref<!tpu.dma_semaphore, #tpu.memory_space<semaphore_mem>>)
      %dma_wait3A = arith.constant 0 : i32
      %dma_wait3A_28 = tpu.memref_slice %arg10[%add3A_14, %dma_wait3A] : memref<10112x128xf32, #tpu.memory_space<vmem_shared>> -> memref<128x128xf32, #tpu.memory_space<vmem_shared>>
      %dma_wait3A_29 = arith.constant 0 : i32
      %dma_wait3A_30 = tpu.memref_slice %arg10[%add3A_14, %dma_wait3A_29] : memref<10112x128xf32, #tpu.memory_space<vmem_shared>> -> memref<128x128xf32, #tpu.memory_space<vmem_shared>>
      tpu.wait_dma2 semaphore(%run_scoped3A : memref<!tpu.dma_semaphore, #tpu.memory_space<semaphore_mem>>) src(%arg8 : memref<128x128xf32, #tpu.memory_space<vmem>>) dst(%dma_wait3A_30 : memref<128x128xf32, #tpu.memory_space<vmem_shared>>)
      tpu.yield
    }) : () -> ()
    %add3A_15 = arith.constant 384 : i32
    %add3A_16 = arith.addi %mul3A_8, %add3A_15 : i32
    "tpu.region"() ({
      %run_scoped3A = tpu.sem_alloc : memref<!tpu.dma_semaphore, #tpu.memory_space<semaphore_mem>>
      %dma_start3A = arith.constant 0 : i32
      %dma_start3A_25 = tpu.memref_slice %arg10[%add3A_16, %dma_start3A] : memref<10112x128xf32, #tpu.memory_space<vmem_shared>> -> memref<128x128xf32, #tpu.memory_space<vmem_shared>>
      %dma_start3A_26 = arith.constant 0 : i32
      %dma_start3A_27 = tpu.memref_slice %arg10[%add3A_16, %dma_start3A_26] : memref<10112x128xf32, #tpu.memory_space<vmem_shared>> -> memref<128x128xf32, #tpu.memory_space<vmem_shared>>
      tpu.enqueue_dma source(%arg8 : memref<128x128xf32, #tpu.memory_space<vmem>>) target(%dma_start3A_27 : memref<128x128xf32, #tpu.memory_space<vmem_shared>>) target_semaphore(%run_scoped3A : memref<!tpu.dma_semaphore, #tpu.memory_space<semaphore_mem>>)
      %dma_wait3A = arith.constant 0 : i32
      %dma_wait3A_28 = tpu.memref_slice %arg10[%add3A_16, %dma_wait3A] : memref<10112x128xf32, #tpu.memory_space<vmem_shared>> -> memref<128x128xf32, #tpu.memory_space<vmem_shared>>
      %dma_wait3A_29 = arith.constant 0 : i32
      %dma_wait3A_30 = tpu.memref_slice %arg10[%add3A_16, %dma_wait3A_29] : memref<10112x128xf32, #tpu.memory_space<vmem_shared>> -> memref<128x128xf32, #tpu.memory_space<vmem_shared>>
      tpu.wait_dma2 semaphore(%run_scoped3A : memref<!tpu.dma_semaphore, #tpu.memory_space<semaphore_mem>>) src(%arg8 : memref<128x128xf32, #tpu.memory_space<vmem>>) dst(%dma_wait3A_30 : memref<128x128xf32, #tpu.memory_space<vmem_shared>>)
      tpu.yield
    }) : () -> ()
    %add3A_17 = arith.constant 512 : i32
    %add3A_18 = arith.addi %mul3A_8, %add3A_17 : i32
    "tpu.region"() ({
      %run_scoped3A = tpu.sem_alloc : memref<!tpu.dma_semaphore, #tpu.memory_space<semaphore_mem>>
      %dma_start3A = arith.constant 0 : i32
      %dma_start3A_25 = arith.constant 0 : i32
      %dma_start3A_26 = tpu.memref_slice %arg8[%dma_start3A, %dma_start3A_25] : memref<128x128xf32, #tpu.memory_space<vmem>> -> memref<120x128xf32, #tpu.memory_space<vmem>>
      %dma_start3A_27 = arith.constant 0 : i32
      %dma_start3A_28 = tpu.memref_slice %arg10[%add3A_18, %dma_start3A_27] : memref<10112x128xf32, #tpu.memory_space<vmem_shared>> -> memref<120x128xf32, #tpu.memory_space<vmem_shared>>
      %dma_start3A_29 = arith.constant 0 : i32
      %dma_start3A_30 = tpu.memref_slice %arg10[%add3A_18, %dma_start3A_29] : memref<10112x128xf32, #tpu.memory_space<vmem_shared>> -> memref<120x128xf32, #tpu.memory_space<vmem_shared>>
      %dma_start3A_31 = arith.constant 0 : i32
      %dma_start3A_32 = arith.constant 0 : i32
      %dma_start3A_33 = tpu.memref_slice %arg8[%dma_start3A_31, %dma_start3A_32] : memref<128x128xf32, #tpu.memory_space<vmem>> -> memref<120x128xf32, #tpu.memory_space<vmem>>
      tpu.enqueue_dma source(%dma_start3A_33 : memref<120x128xf32, #tpu.memory_space<vmem>>) target(%dma_start3A_30 : memref<120x128xf32, #tpu.memory_space<vmem_shared>>) target_semaphore(%run_scoped3A : memref<!tpu.dma_semaphore, #tpu.memory_space<semaphore_mem>>)
      %dma_wait3A = arith.constant 0 : i32
      %dma_wait3A_34 = arith.constant 0 : i32
      %dma_wait3A_35 = tpu.memref_slice %arg8[%dma_wait3A, %dma_wait3A_34] : memref<128x128xf32, #tpu.memory_space<vmem>> -> memref<120x128xf32, #tpu.memory_space<vmem>>
      %dma_wait3A_36 = arith.constant 0 : i32
      %dma_wait3A_37 = tpu.memref_slice %arg10[%add3A_18, %dma_wait3A_36] : memref<10112x128xf32, #tpu.memory_space<vmem_shared>> -> memref<120x128xf32, #tpu.memory_space<vmem_shared>>
      %dma_wait3A_38 = arith.constant 0 : i32
      %dma_wait3A_39 = tpu.memref_slice %arg10[%add3A_18, %dma_wait3A_38] : memref<10112x128xf32, #tpu.memory_space<vmem_shared>> -> memref<120x128xf32, #tpu.memory_space<vmem_shared>>
      %dma_wait3A_40 = arith.constant 0 : i32
      %dma_wait3A_41 = arith.constant 0 : i32
      %dma_wait3A_42 = tpu.memref_slice %arg8[%dma_wait3A_40, %dma_wait3A_41] : memref<128x128xf32, #tpu.memory_space<vmem>> -> memref<120x128xf32, #tpu.memory_space<vmem>>
      tpu.wait_dma2 semaphore(%run_scoped3A : memref<!tpu.dma_semaphore, #tpu.memory_space<semaphore_mem>>) src(%dma_wait3A_42 : memref<120x128xf32, #tpu.memory_space<vmem>>) dst(%dma_wait3A_39 : memref<120x128xf32, #tpu.memory_space<vmem_shared>>)
      tpu.yield
    }) : () -> ()
    %barrier3A = arith.constant 0 : index
    tpu.barrier barrier_id(%barrier3A)
    %scan3A_19 = arith.constant 0 : i32
    %scan3A_20 = arith.constant 2 : i32
    %scan3A_21 = arith.addi %scan3A_19, %scan3A_20 : i32
    %scan3A_22 = arith.constant 1 : i32
    scf.for %scan3A_25 = %scan3A_19 to %scan3A_21 step %scan3A_22  : i32 {
      %mul3A_26 = arith.constant 1 : i32
      %mul3A_27 = arith.muli %scan3A_25, %mul3A_26 : i32
      %add3A_28 = arith.constant 0 : i32
      %add3A_29 = arith.addi %add3A_28, %mul3A_27 : i32
      %mul3A_30 = arith.constant 2 : i32
      %mul3A_31 = arith.muli %add3A, %mul3A_30 : i32
      %add3A_32 = arith.addi %mul3A_31, %add3A_29 : i32
      "tpu.region"() ({
        %run_scoped3A = tpu.sem_alloc : memref<!tpu.dma_semaphore, #tpu.memory_space<semaphore_mem>>
        %dma_start3A_53 = arith.constant 0 : i32
        %dma_start3A_54 = arith.constant 0 : i32
        %dma_start3A_55 = tpu.memref_slice %arg3[%add3A_32, %dma_start3A_53, %dma_start3A_54] : memref<64x40x128xi32, #tpu.memory_space<hbm>> -> memref<1x40x128xi32, #tpu.memory_space<hbm>>
        %dma_start3A_56 = tpu.memref_squeeze %dma_start3A_55 : memref<1x40x128xi32, #tpu.memory_space<hbm>> -> memref<40x128xi32, #tpu.memory_space<hbm>>
        %dma_start3A_57 = arith.constant 0 : i32
        %dma_start3A_58 = arith.constant 0 : i32
        %dma_start3A_59 = tpu.memref_slice %arg3[%add3A_32, %dma_start3A_57, %dma_start3A_58] : memref<64x40x128xi32, #tpu.memory_space<hbm>> -> memref<1x40x128xi32, #tpu.memory_space<hbm>>
        %dma_start3A_60 = tpu.memref_squeeze %dma_start3A_59 : memref<1x40x128xi32, #tpu.memory_space<hbm>> -> memref<40x128xi32, #tpu.memory_space<hbm>>
        tpu.enqueue_dma source(%dma_start3A_60 : memref<40x128xi32, #tpu.memory_space<hbm>>) target(%arg6 : memref<40x128xi32, #tpu.memory_space<vmem>>) target_semaphore(%run_scoped3A : memref<!tpu.dma_semaphore, #tpu.memory_space<semaphore_mem>>)
        %dma_wait3A_61 = arith.constant 0 : i32
        %dma_wait3A_62 = arith.constant 0 : i32
        %dma_wait3A_63 = tpu.memref_slice %arg3[%add3A_32, %dma_wait3A_61, %dma_wait3A_62] : memref<64x40x128xi32, #tpu.memory_space<hbm>> -> memref<1x40x128xi32, #tpu.memory_space<hbm>>
        %dma_wait3A_64 = tpu.memref_squeeze %dma_wait3A_63 : memref<1x40x128xi32, #tpu.memory_space<hbm>> -> memref<40x128xi32, #tpu.memory_space<hbm>>
        %dma_wait3A_65 = arith.constant 0 : i32
        %dma_wait3A_66 = arith.constant 0 : i32
        %dma_wait3A_67 = tpu.memref_slice %arg3[%add3A_32, %dma_wait3A_65, %dma_wait3A_66] : memref<64x40x128xi32, #tpu.memory_space<hbm>> -> memref<1x40x128xi32, #tpu.memory_space<hbm>>
        %dma_wait3A_68 = tpu.memref_squeeze %dma_wait3A_67 : memref<1x40x128xi32, #tpu.memory_space<hbm>> -> memref<40x128xi32, #tpu.memory_space<hbm>>
        tpu.wait_dma2 semaphore(%run_scoped3A : memref<!tpu.dma_semaphore, #tpu.memory_space<semaphore_mem>>) src(%dma_wait3A_68 : memref<40x128xi32, #tpu.memory_space<hbm>>) dst(%arg6 : memref<40x128xi32, #tpu.memory_space<vmem>>)
        tpu.yield
      }) : () -> ()
      %mul3A_33 = arith.constant 2 : i32
      %mul3A_34 = arith.muli %add3A, %mul3A_33 : i32
      %add3A_35 = arith.addi %mul3A_34, %add3A_29 : i32
      "tpu.region"() ({
        %run_scoped3A = tpu.sem_alloc : memref<!tpu.dma_semaphore, #tpu.memory_space<semaphore_mem>>
        %dma_start3A_53 = arith.constant 0 : i32
        %dma_start3A_54 = arith.constant 0 : i32
        %dma_start3A_55 = tpu.memref_slice %arg4[%add3A_35, %dma_start3A_53, %dma_start3A_54] : memref<64x40x128xi32, #tpu.memory_space<hbm>> -> memref<1x40x128xi32, #tpu.memory_space<hbm>>
        %dma_start3A_56 = tpu.memref_squeeze %dma_start3A_55 : memref<1x40x128xi32, #tpu.memory_space<hbm>> -> memref<40x128xi32, #tpu.memory_space<hbm>>
        %dma_start3A_57 = arith.constant 0 : i32
        %dma_start3A_58 = arith.constant 0 : i32
        %dma_start3A_59 = tpu.memref_slice %arg4[%add3A_35, %dma_start3A_57, %dma_start3A_58] : memref<64x40x128xi32, #tpu.memory_space<hbm>> -> memref<1x40x128xi32, #tpu.memory_space<hbm>>
        %dma_start3A_60 = tpu.memref_squeeze %dma_start3A_59 : memref<1x40x128xi32, #tpu.memory_space<hbm>> -> memref<40x128xi32, #tpu.memory_space<hbm>>
        tpu.enqueue_dma source(%dma_start3A_60 : memref<40x128xi32, #tpu.memory_space<hbm>>) target(%arg7 : memref<40x128xi32, #tpu.memory_space<vmem>>) target_semaphore(%run_scoped3A : memref<!tpu.dma_semaphore, #tpu.memory_space<semaphore_mem>>)
        %dma_wait3A_61 = arith.constant 0 : i32
        %dma_wait3A_62 = arith.constant 0 : i32
        %dma_wait3A_63 = tpu.memref_slice %arg4[%add3A_35, %dma_wait3A_61, %dma_wait3A_62] : memref<64x40x128xi32, #tpu.memory_space<hbm>> -> memref<1x40x128xi32, #tpu.memory_space<hbm>>
        %dma_wait3A_64 = tpu.memref_squeeze %dma_wait3A_63 : memref<1x40x128xi32, #tpu.memory_space<hbm>> -> memref<40x128xi32, #tpu.memory_space<hbm>>
        %dma_wait3A_65 = arith.constant 0 : i32
        %dma_wait3A_66 = arith.constant 0 : i32
        %dma_wait3A_67 = tpu.memref_slice %arg4[%add3A_35, %dma_wait3A_65, %dma_wait3A_66] : memref<64x40x128xi32, #tpu.memory_space<hbm>> -> memref<1x40x128xi32, #tpu.memory_space<hbm>>
        %dma_wait3A_68 = tpu.memref_squeeze %dma_wait3A_67 : memref<1x40x128xi32, #tpu.memory_space<hbm>> -> memref<40x128xi32, #tpu.memory_space<hbm>>
        tpu.wait_dma2 semaphore(%run_scoped3A : memref<!tpu.dma_semaphore, #tpu.memory_space<semaphore_mem>>) src(%dma_wait3A_68 : memref<40x128xi32, #tpu.memory_space<hbm>>) dst(%arg7 : memref<40x128xi32, #tpu.memory_space<vmem>>)
        tpu.yield
      }) : () -> ()
      %dma_start3A = arith.constant 0 : i32
      %dma_start3A_36 = arith.constant 0 : i32
      %dma_start3A_37 = tpu.memref_slice %arg6[%dma_start3A, %dma_start3A_36] : memref<40x128xi32, #tpu.memory_space<vmem>> -> memref<1x128xi32, #tpu.memory_space<vmem>>
      %dma_start3A_38 = tpu.memref_squeeze %dma_start3A_37 : memref<1x128xi32, #tpu.memory_space<vmem>> -> memref<128xi32, #tpu.memory_space<vmem>>
      %dma_start3A_39 = arith.constant 0 : i32
      %dma_start3A_40 = arith.constant 0 : i32
      %dma_start3A_41 = tpu.memref_slice %arg2[%dma_start3A_39, %dma_start3A_40] : memref<10000x128xf32, #tpu.memory_space<hbm>> -> memref<10000x128xf32, #tpu.memory_space<hbm>>
      tpu.enqueue_indirect_dma source(%dma_start3A_41 : memref<10000x128xf32, #tpu.memory_space<hbm>>) target(%arg8 : memref<128x128xf32, #tpu.memory_space<vmem>>) offsets(%dma_start3A_38 : memref<128xi32, #tpu.memory_space<vmem>>) semaphore(%arg11 : memref<!tpu.dma_semaphore, #tpu.memory_space<semaphore_mem>>)
      %scan3A_42 = arith.constant 0 : i32
      %scan3A_43 = arith.constant 20 : i32
      %scan3A_44 = arith.addi %scan3A_42, %scan3A_43 : i32
      %scan3A_45 = arith.constant 1 : i32
      scf.for %scan3A_53 = %scan3A_42 to %scan3A_44 step %scan3A_45  : i32 {
        %mul3A_54 = arith.constant 1 : i32
        %mul3A_55 = arith.muli %scan3A_53, %mul3A_54 : i32
        %add3A_56 = arith.constant 0 : i32
        %add3A_57 = arith.addi %add3A_56, %mul3A_55 : i32
        %mul3A_58 = arith.constant 2 : i32
        %mul3A_59 = arith.muli %mul3A_58, %add3A_57 : i32
        %mul3A_60 = arith.constant 2 : i32
        %mul3A_61 = arith.muli %mul3A_60, %add3A_57 : i32
        %add3A_62 = arith.constant 1 : i32
        %add3A_63 = arith.addi %mul3A_61, %add3A_62 : i32
        %gt3A = arith.constant 0 : i32
        %gt3A_64 = arith.cmpi sgt, %add3A_57, %gt3A : i32
        %convert_element_type3A = arith.extui %gt3A_64 : i1 to i32
        %cond3A = arith.constant 0 : i32
        %cond3A_65 = arith.cmpi ne, %convert_element_type3A, %cond3A : i32
        scf.if %cond3A_65 {
          %sub3A = arith.constant 1 : i32
          %sub3A_106 = arith.subi %mul3A_59, %sub3A : i32
          %dma_wait3A_107 = arith.constant 0 : i32
          %dma_wait3A_108 = tpu.memref_slice %arg7[%sub3A_106, %dma_wait3A_107] : memref<40x128xi32, #tpu.memory_space<vmem>> -> memref<1x128xi32, #tpu.memory_space<vmem>>
          %dma_wait3A_109 = tpu.memref_squeeze %dma_wait3A_108 : memref<1x128xi32, #tpu.memory_space<vmem>> -> memref<128xi32, #tpu.memory_space<vmem>>
          %dma_wait3A_110 = arith.constant 0 : i32
          %dma_wait3A_111 = arith.constant 0 : i32
          %dma_wait3A_112 = tpu.memref_slice %arg10[%dma_wait3A_110, %dma_wait3A_111] : memref<10112x128xf32, #tpu.memory_space<vmem_shared>> -> memref<10112x128xf32, #tpu.memory_space<vmem_shared>>
          tpu.wait_indirect_dma semaphore(%arg14 : memref<!tpu.dma_semaphore, #tpu.memory_space<semaphore_mem>>) src(%arg9 : memref<128x128xf32, #tpu.memory_space<vmem>>) dst(%dma_wait3A_112 : memref<10112x128xf32, #tpu.memory_space<vmem_shared>>)
        } else {
        }
        %dma_start3A_66 = arith.constant 0 : i32
        %dma_start3A_67 = tpu.memref_slice %arg6[%add3A_63, %dma_start3A_66] : memref<40x128xi32, #tpu.memory_space<vmem>> -> memref<1x128xi32, #tpu.memory_space<vmem>>
        %dma_start3A_68 = tpu.memref_squeeze %dma_start3A_67 : memref<1x128xi32, #tpu.memory_space<vmem>> -> memref<128xi32, #tpu.memory_space<vmem>>
        %dma_start3A_69 = arith.constant 0 : i32
        %dma_start3A_70 = arith.constant 0 : i32
        %dma_start3A_71 = tpu.memref_slice %arg2[%dma_start3A_69, %dma_start3A_70] : memref<10000x128xf32, #tpu.memory_space<hbm>> -> memref<10000x128xf32, #tpu.memory_space<hbm>>
        tpu.enqueue_indirect_dma source(%dma_start3A_71 : memref<10000x128xf32, #tpu.memory_space<hbm>>) target(%arg9 : memref<128x128xf32, #tpu.memory_space<vmem>>) offsets(%dma_start3A_68 : memref<128xi32, #tpu.memory_space<vmem>>) semaphore(%arg12 : memref<!tpu.dma_semaphore, #tpu.memory_space<semaphore_mem>>)
        %dma_wait3A_72 = arith.constant 0 : i32
        %dma_wait3A_73 = tpu.memref_slice %arg6[%mul3A_59, %dma_wait3A_72] : memref<40x128xi32, #tpu.memory_space<vmem>> -> memref<1x128xi32, #tpu.memory_space<vmem>>
        %dma_wait3A_74 = tpu.memref_squeeze %dma_wait3A_73 : memref<1x128xi32, #tpu.memory_space<vmem>> -> memref<128xi32, #tpu.memory_space<vmem>>
        %dma_wait3A_75 = arith.constant 0 : i32
        %dma_wait3A_76 = arith.constant 0 : i32
        %dma_wait3A_77 = tpu.memref_slice %arg2[%dma_wait3A_75, %dma_wait3A_76] : memref<10000x128xf32, #tpu.memory_space<hbm>> -> memref<10000x128xf32, #tpu.memory_space<hbm>>
        tpu.wait_indirect_dma semaphore(%arg11 : memref<!tpu.dma_semaphore, #tpu.memory_space<semaphore_mem>>) src(%dma_wait3A_77 : memref<10000x128xf32, #tpu.memory_space<hbm>>) dst(%arg8 : memref<128x128xf32, #tpu.memory_space<vmem>>)
        %dma_start3A_78 = arith.constant 0 : i32
        %dma_start3A_79 = tpu.memref_slice %arg7[%mul3A_59, %dma_start3A_78] : memref<40x128xi32, #tpu.memory_space<vmem>> -> memref<1x128xi32, #tpu.memory_space<vmem>>
        %dma_start3A_80 = tpu.memref_squeeze %dma_start3A_79 : memref<1x128xi32, #tpu.memory_space<vmem>> -> memref<128xi32, #tpu.memory_space<vmem>>
        %dma_start3A_81 = arith.constant 0 : i32
        %dma_start3A_82 = arith.constant 0 : i32
        %dma_start3A_83 = tpu.memref_slice %arg10[%dma_start3A_81, %dma_start3A_82] : memref<10112x128xf32, #tpu.memory_space<vmem_shared>> -> memref<10112x128xf32, #tpu.memory_space<vmem_shared>>
        tpu.enqueue_indirect_dma source(%arg8 : memref<128x128xf32, #tpu.memory_space<vmem>>) target(%dma_start3A_83 : memref<10112x128xf32, #tpu.memory_space<vmem_shared>>) offsets(%dma_start3A_80 : memref<128xi32, #tpu.memory_space<vmem>>) semaphore(%arg13 : memref<!tpu.dma_semaphore, #tpu.memory_space<semaphore_mem>>) {add = true}
        %dma_wait3A_84 = arith.constant 0 : i32
        %dma_wait3A_85 = tpu.memref_slice %arg6[%add3A_63, %dma_wait3A_84] : memref<40x128xi32, #tpu.memory_space<vmem>> -> memref<1x128xi32, #tpu.memory_space<vmem>>
        %dma_wait3A_86 = tpu.memref_squeeze %dma_wait3A_85 : memref<1x128xi32, #tpu.memory_space<vmem>> -> memref<128xi32, #tpu.memory_space<vmem>>
        %dma_wait3A_87 = arith.constant 0 : i32
        %dma_wait3A_88 = arith.constant 0 : i32
        %dma_wait3A_89 = tpu.memref_slice %arg2[%dma_wait3A_87, %dma_wait3A_88] : memref<10000x128xf32, #tpu.memory_space<hbm>> -> memref<10000x128xf32, #tpu.memory_space<hbm>>
        tpu.wait_indirect_dma semaphore(%arg12 : memref<!tpu.dma_semaphore, #tpu.memory_space<semaphore_mem>>) src(%dma_wait3A_89 : memref<10000x128xf32, #tpu.memory_space<hbm>>) dst(%arg9 : memref<128x128xf32, #tpu.memory_space<vmem>>)
        %dma_wait3A_90 = arith.constant 0 : i32
        %dma_wait3A_91 = tpu.memref_slice %arg7[%mul3A_59, %dma_wait3A_90] : memref<40x128xi32, #tpu.memory_space<vmem>> -> memref<1x128xi32, #tpu.memory_space<vmem>>
        %dma_wait3A_92 = tpu.memref_squeeze %dma_wait3A_91 : memref<1x128xi32, #tpu.memory_space<vmem>> -> memref<128xi32, #tpu.memory_space<vmem>>
        %dma_wait3A_93 = arith.constant 0 : i32
        %dma_wait3A_94 = arith.constant 0 : i32
        %dma_wait3A_95 = tpu.memref_slice %arg10[%dma_wait3A_93, %dma_wait3A_94] : memref<10112x128xf32, #tpu.memory_space<vmem_shared>> -> memref<10112x128xf32, #tpu.memory_space<vmem_shared>>
        tpu.wait_indirect_dma semaphore(%arg13 : memref<!tpu.dma_semaphore, #tpu.memory_space<semaphore_mem>>) src(%arg8 : memref<128x128xf32, #tpu.memory_space<vmem>>) dst(%dma_wait3A_95 : memref<10112x128xf32, #tpu.memory_space<vmem_shared>>)
        %lt3A = arith.constant 19 : i32
        %lt3A_96 = arith.cmpi slt, %add3A_57, %lt3A : i32
        %convert_element_type3A_97 = arith.extui %lt3A_96 : i1 to i32
        %cond3A_98 = arith.constant 0 : i32
        %cond3A_99 = arith.cmpi ne, %convert_element_type3A_97, %cond3A_98 : i32
        scf.if %cond3A_99 {
          %add3A_106 = arith.constant 2 : i32
          %add3A_107 = arith.addi %mul3A_59, %add3A_106 : i32
          %dma_start3A_108 = arith.constant 0 : i32
          %dma_start3A_109 = tpu.memref_slice %arg6[%add3A_107, %dma_start3A_108] : memref<40x128xi32, #tpu.memory_space<vmem>> -> memref<1x128xi32, #tpu.memory_space<vmem>>
          %dma_start3A_110 = tpu.memref_squeeze %dma_start3A_109 : memref<1x128xi32, #tpu.memory_space<vmem>> -> memref<128xi32, #tpu.memory_space<vmem>>
          %dma_start3A_111 = arith.constant 0 : i32
          %dma_start3A_112 = arith.constant 0 : i32
          %dma_start3A_113 = tpu.memref_slice %arg2[%dma_start3A_111, %dma_start3A_112] : memref<10000x128xf32, #tpu.memory_space<hbm>> -> memref<10000x128xf32, #tpu.memory_space<hbm>>
          tpu.enqueue_indirect_dma source(%dma_start3A_113 : memref<10000x128xf32, #tpu.memory_space<hbm>>) target(%arg8 : memref<128x128xf32, #tpu.memory_space<vmem>>) offsets(%dma_start3A_110 : memref<128xi32, #tpu.memory_space<vmem>>) semaphore(%arg11 : memref<!tpu.dma_semaphore, #tpu.memory_space<semaphore_mem>>)
        } else {
        }
        %dma_start3A_100 = arith.constant 0 : i32
        %dma_start3A_101 = tpu.memref_slice %arg7[%add3A_63, %dma_start3A_100] : memref<40x128xi32, #tpu.memory_space<vmem>> -> memref<1x128xi32, #tpu.memory_space<vmem>>
        %dma_start3A_102 = tpu.memref_squeeze %dma_start3A_101 : memref<1x128xi32, #tpu.memory_space<vmem>> -> memref<128xi32, #tpu.memory_space<vmem>>
        %dma_start3A_103 = arith.constant 0 : i32
        %dma_start3A_104 = arith.constant 0 : i32
        %dma_start3A_105 = tpu.memref_slice %arg10[%dma_start3A_103, %dma_start3A_104] : memref<10112x128xf32, #tpu.memory_space<vmem_shared>> -> memref<10112x128xf32, #tpu.memory_space<vmem_shared>>
        tpu.enqueue_indirect_dma source(%arg9 : memref<128x128xf32, #tpu.memory_space<vmem>>) target(%dma_start3A_105 : memref<10112x128xf32, #tpu.memory_space<vmem_shared>>) offsets(%dma_start3A_102 : memref<128xi32, #tpu.memory_space<vmem>>) semaphore(%arg14 : memref<!tpu.dma_semaphore, #tpu.memory_space<semaphore_mem>>) {add = true}
      }
      %scan3A_46 = arith.constant 20 : i32
      %dma_wait3A = arith.constant 39 : i32
      %dma_wait3A_47 = arith.constant 0 : i32
      %dma_wait3A_48 = tpu.memref_slice %arg7[%dma_wait3A, %dma_wait3A_47] : memref<40x128xi32, #tpu.memory_space<vmem>> -> memref<1x128xi32, #tpu.memory_space<vmem>>
      %dma_wait3A_49 = tpu.memref_squeeze %dma_wait3A_48 : memref<1x128xi32, #tpu.memory_space<vmem>> -> memref<128xi32, #tpu.memory_space<vmem>>
      %dma_wait3A_50 = arith.constant 0 : i32
      %dma_wait3A_51 = arith.constant 0 : i32
      %dma_wait3A_52 = tpu.memref_slice %arg10[%dma_wait3A_50, %dma_wait3A_51] : memref<10112x128xf32, #tpu.memory_space<vmem_shared>> -> memref<10112x128xf32, #tpu.memory_space<vmem_shared>>
      tpu.wait_indirect_dma semaphore(%arg14 : memref<!tpu.dma_semaphore, #tpu.memory_space<semaphore_mem>>) src(%arg9 : memref<128x128xf32, #tpu.memory_space<vmem>>) dst(%dma_wait3A_52 : memref<10112x128xf32, #tpu.memory_space<vmem_shared>>)
    }
    %scan3A_23 = arith.constant 2 : i32
    %barrier3A_24 = arith.constant 0 : index
    tpu.barrier barrier_id(%barrier3A_24)
    "tpu.region"() ({
      %run_scoped3A = tpu.sem_alloc : memref<!tpu.dma_semaphore, #tpu.memory_space<semaphore_mem>>
      %dma_start3A = arith.constant 0 : i32
      %dma_start3A_25 = tpu.memref_slice %arg5[%arg0, %mul3A_2, %dma_start3A] : memref<2x10112x128xf32, #tpu.memory_space<hbm>> -> memref<1x632x128xf32, #tpu.memory_space<hbm>>
      %dma_start3A_26 = tpu.memref_squeeze %dma_start3A_25 : memref<1x632x128xf32, #tpu.memory_space<hbm>> -> memref<632x128xf32, #tpu.memory_space<hbm>>
      %dma_start3A_27 = arith.constant 0 : i32
      %dma_start3A_28 = tpu.memref_slice %arg10[%mul3A_2, %dma_start3A_27] : memref<10112x128xf32, #tpu.memory_space<vmem_shared>> -> memref<632x128xf32, #tpu.memory_space<vmem_shared>>
      tpu.enqueue_dma source(%dma_start3A_28 : memref<632x128xf32, #tpu.memory_space<vmem_shared>>) target(%dma_start3A_26 : memref<632x128xf32, #tpu.memory_space<hbm>>) target_semaphore(%run_scoped3A : memref<!tpu.dma_semaphore, #tpu.memory_space<semaphore_mem>>)
      %dma_wait3A = arith.constant 0 : i32
      %dma_wait3A_29 = tpu.memref_slice %arg5[%arg0, %mul3A_2, %dma_wait3A] : memref<2x10112x128xf32, #tpu.memory_space<hbm>> -> memref<1x632x128xf32, #tpu.memory_space<hbm>>
      %dma_wait3A_30 = tpu.memref_squeeze %dma_wait3A_29 : memref<1x632x128xf32, #tpu.memory_space<hbm>> -> memref<632x128xf32, #tpu.memory_space<hbm>>
      %dma_wait3A_31 = arith.constant 0 : i32
      %dma_wait3A_32 = tpu.memref_slice %arg10[%mul3A_2, %dma_wait3A_31] : memref<10112x128xf32, #tpu.memory_space<vmem_shared>> -> memref<632x128xf32, #tpu.memory_space<vmem_shared>>
      tpu.wait_dma2 semaphore(%run_scoped3A : memref<!tpu.dma_semaphore, #tpu.memory_space<semaphore_mem>>) src(%dma_wait3A_32 : memref<632x128xf32, #tpu.memory_space<vmem_shared>>) dst(%dma_wait3A_30 : memref<632x128xf32, #tpu.memory_space<hbm>>)
      tpu.yield
    }) : () -> ()
    return
  }
}

module attributes {stable_mosaic.version = 14 : i64} {
  func.func @_mm_body(%arg0: i32, %arg1: memref<5000x128xf32, #tpu.memory_space<vmem>>, %arg2: memref<128x128xf32, #tpu.memory_space<vmem>>, %arg3: memref<128x128xf32, #tpu.memory_space<vmem>>, %arg4: memref<5000x128xf32, #tpu.memory_space<vmem>>, %arg5: memref<5000x128xf32, #tpu.memory_space<vmem>>) attributes {dimension_semantics = [#tpu.dimension_semantics<arbitrary>], iteration_bounds = array<i64: 2>, scalar_prefetch = 0 : i64, scratch_operands = 0 : i64, tpu.core_type = #tpu.core_type<tc>, window_params = [{transform_indices = @transform_0, window_bounds = array<i64: 5000, 128>}, {pipeline_mode = #tpu.pipeline_mode<synchronous>, transform_indices = @transform_1, window_bounds = array<i64: 128, 128>}, {pipeline_mode = #tpu.pipeline_mode<synchronous>, transform_indices = @transform_2, window_bounds = array<i64: 128, 128>}, {transform_indices = @transform_3, window_bounds = array<i64: 5000, 128>}, {transform_indices = @transform_4, window_bounds = array<i64: 5000, 128>}]} {
    %get3A = arith.constant 0 : index
    %get3A_0 = arith.constant 0 : index
    %get3A_1 = vector.load %arg1[%get3A, %get3A_0] : memref<5000x128xf32, #tpu.memory_space<vmem>>, vector<5000x128xf32>
    %get3A_2 = arith.constant 0 : index
    %get3A_3 = arith.constant 0 : index
    %get3A_4 = vector.load %arg2[%get3A_2, %get3A_3] : memref<128x128xf32, #tpu.memory_space<vmem>>, vector<128x128xf32>
    %dot_general3A = arith.constant dense<0.000000e+00> : vector<5000x128xf32>
    %dot_general3A_5 = tpu.matmul %get3A_1, %get3A_4, %dot_general3A {dimension_numbers = #tpu.dot_dimension_numbers<[1], [0], [0], [1], [0, 0, 1, 1], [], []>, transpose_lhs_hint = false} : vector<5000x128xf32>, vector<128x128xf32>, vector<5000x128xf32> -> vector<5000x128xf32>
    %swap3A = arith.constant 0 : index
    %swap3A_6 = arith.constant 0 : index
    %swap3A_7 = vector.load %arg4[%swap3A, %swap3A_6] : memref<5000x128xf32, #tpu.memory_space<vmem>>, vector<5000x128xf32>
    tpu.vector_store %arg4[%swap3A, %swap3A_6], %dot_general3A_5 {strides = array<i32>} : memref<5000x128xf32, #tpu.memory_space<vmem>>, vector<5000x128xf32>,
    %get3A_8 = arith.constant 0 : index
    %get3A_9 = arith.constant 0 : index
    %get3A_10 = vector.load %arg3[%get3A_8, %get3A_9] : memref<128x128xf32, #tpu.memory_space<vmem>>, vector<128x128xf32>
    %dot_general3A_11 = arith.constant dense<0.000000e+00> : vector<5000x128xf32>
    %dot_general3A_12 = tpu.matmul %get3A_1, %get3A_10, %dot_general3A_11 {dimension_numbers = #tpu.dot_dimension_numbers<[1], [0], [0], [1], [0, 0, 1, 1], [], []>, transpose_lhs_hint = false} : vector<5000x128xf32>, vector<128x128xf32>, vector<5000x128xf32> -> vector<5000x128xf32>
    %swap3A_13 = arith.constant 0 : index
    %swap3A_14 = arith.constant 0 : index
    %swap3A_15 = vector.load %arg5[%swap3A_13, %swap3A_14] : memref<5000x128xf32, #tpu.memory_space<vmem>>, vector<5000x128xf32>
    tpu.vector_store %arg5[%swap3A_13, %swap3A_14], %dot_general3A_12 {strides = array<i32>} : memref<5000x128xf32, #tpu.memory_space<vmem>>, vector<5000x128xf32>,
    return
  }
  func.func @transform_0(%arg0: i32) -> (i32, i32) {
    %c0_i32 = arith.constant 0 : i32
    %c0_i32_0 = arith.constant 0 : i32
    return %arg0, %c0_i32 : i32, i32
  }
  func.func @transform_1(%arg0: i32) -> (i32, i32) {
    %c0_i32 = arith.constant 0 : i32
    %c0_i32_0 = arith.constant 0 : i32
    %c0_i32_1 = arith.constant 0 : i32
    return %c0_i32, %c0_i32_0 : i32, i32
  }
  func.func @transform_2(%arg0: i32) -> (i32, i32) {
    %c0_i32 = arith.constant 0 : i32
    %c0_i32_0 = arith.constant 0 : i32
    %c0_i32_1 = arith.constant 0 : i32
    return %c0_i32, %c0_i32_0 : i32, i32
  }
  func.func @transform_3(%arg0: i32) -> (i32, i32) {
    %c0_i32 = arith.constant 0 : i32
    %c0_i32_0 = arith.constant 0 : i32
    return %arg0, %c0_i32 : i32, i32
  }
  func.func @transform_4(%arg0: i32) -> (i32, i32) {
    %c0_i32 = arith.constant 0 : i32
    %c0_i32_0 = arith.constant 0 : i32
    return %arg0, %c0_i32 : i32, i32
  }
}

module attributes {stable_mosaic.version = 14 : i64} {
  func.func @_h_body(%arg0: i32, %arg1: memref<2x5000x128xf32, #tpu.memory_space<vmem>>, %arg2: memref<2x5000x128xf32, #tpu.memory_space<vmem>>, %arg3: memref<5000x128xf32, #tpu.memory_space<vmem>>, %arg4: memref<128x128xf32, #tpu.memory_space<vmem>>, %arg5: memref<1x128xf32, #tpu.memory_space<vmem>>, %arg6: memref<5000x128xf32, #tpu.memory_space<vmem>>, %arg7: memref<5000x8xf32, #tpu.memory_space<vmem>>) attributes {dimension_semantics = [#tpu.dimension_semantics<arbitrary>], iteration_bounds = array<i64: 2>, scalar_prefetch = 0 : i64, scratch_operands = 0 : i64, tpu.core_type = #tpu.core_type<tc>, window_params = [{transform_indices = @transform_0, window_bounds = array<i64: 2, 5000, 128>}, {transform_indices = @transform_1, window_bounds = array<i64: 2, 5000, 128>}, {transform_indices = @transform_2, window_bounds = array<i64: 5000, 128>}, {pipeline_mode = #tpu.pipeline_mode<synchronous>, transform_indices = @transform_3, window_bounds = array<i64: 128, 128>}, {pipeline_mode = #tpu.pipeline_mode<synchronous>, transform_indices = @transform_4, window_bounds = array<i64: 1, 128>}, {transform_indices = @transform_5, window_bounds = array<i64: 5000, 128>}, {transform_indices = @transform_6, window_bounds = array<i64: 5000, 8>}]} {
    %get3A = arith.constant 0 : index
    %get3A_0 = arith.constant 0 : index
    %get3A_1 = arith.constant 0 : index
    %get3A_2 = vector.load %arg2[%get3A, %get3A_0, %get3A_1] : memref<2x5000x128xf32, #tpu.memory_space<vmem>>, vector<1x5000x1xf32>
    %get3A_3 = vector.shape_cast %get3A_2 : vector<1x5000x1xf32> to vector<5000x1xf32>
    %get3A_4 = arith.constant 1 : index
    %get3A_5 = arith.constant 0 : index
    %get3A_6 = arith.constant 0 : index
    %get3A_7 = vector.load %arg2[%get3A_4, %get3A_5, %get3A_6] : memref<2x5000x128xf32, #tpu.memory_space<vmem>>, vector<1x5000x1xf32>
    %get3A_8 = vector.shape_cast %get3A_7 : vector<1x5000x1xf32> to vector<5000x1xf32>
    %add3A = arith.addf %get3A_3, %get3A_8 : vector<5000x1xf32>
    %max3A = arith.constant 1.000000e+00 : f32
    %max3A_9 = vector.broadcast %max3A : f32 to vector<5000x1xf32>
    %max3A_10 = arith.maximumf %add3A, %max3A_9 : vector<5000x1xf32>
    %div3A = arith.constant 1.000000e+00 : f32
    %div3A_11 = vector.broadcast %div3A : f32 to vector<5000x1xf32>
    %div3A_12 = arith.divf %div3A_11, %max3A_10 : vector<5000x1xf32>
    %get3A_13 = arith.constant 0 : index
    %get3A_14 = arith.constant 0 : index
    %get3A_15 = arith.constant 0 : index
    %get3A_16 = vector.load %arg1[%get3A_13, %get3A_14, %get3A_15] : memref<2x5000x128xf32, #tpu.memory_space<vmem>>, vector<1x5000x128xf32>
    %get3A_17 = vector.shape_cast %get3A_16 : vector<1x5000x128xf32> to vector<5000x128xf32>
    %get3A_18 = arith.constant 1 : index
    %get3A_19 = arith.constant 0 : index
    %get3A_20 = arith.constant 0 : index
    %get3A_21 = vector.load %arg1[%get3A_18, %get3A_19, %get3A_20] : memref<2x5000x128xf32, #tpu.memory_space<vmem>>, vector<1x5000x128xf32>
    %get3A_22 = vector.shape_cast %get3A_21 : vector<1x5000x128xf32> to vector<5000x128xf32>
    %add3A_23 = arith.addf %get3A_17, %get3A_22 : vector<5000x128xf32>
    %mul3A = vector.broadcast %div3A_12 : vector<5000x1xf32> to vector<5000x128xf32>
    %mul3A_24 = arith.mulf %add3A_23, %mul3A : vector<5000x128xf32>
    %get3A_25 = arith.constant 0 : index
    %get3A_26 = arith.constant 0 : index
    %get3A_27 = vector.load %arg4[%get3A_25, %get3A_26] : memref<128x128xf32, #tpu.memory_space<vmem>>, vector<128x128xf32>
    %dot_general3A = arith.constant dense<0.000000e+00> : vector<5000x128xf32>
    %dot_general3A_28 = tpu.matmul %mul3A_24, %get3A_27, %dot_general3A {dimension_numbers = #tpu.dot_dimension_numbers<[1], [0], [0], [1], [0, 0, 1, 1], [], []>, transpose_lhs_hint = false} : vector<5000x128xf32>, vector<128x128xf32>, vector<5000x128xf32> -> vector<5000x128xf32>
    %get3A_29 = arith.constant 0 : index
    %get3A_30 = arith.constant 0 : index
    %get3A_31 = vector.load %arg5[%get3A_29, %get3A_30] : memref<1x128xf32, #tpu.memory_space<vmem>>, vector<1x128xf32>
    %add3A_32 = vector.broadcast %get3A_31 : vector<1x128xf32> to vector<5000x128xf32>
    %add3A_33 = arith.addf %dot_general3A_28, %add3A_32 : vector<5000x128xf32>
    %get3A_34 = arith.constant 0 : index
    %get3A_35 = arith.constant 0 : index
    %get3A_36 = vector.load %arg3[%get3A_34, %get3A_35] : memref<5000x128xf32, #tpu.memory_space<vmem>>, vector<5000x128xf32>
    %add3A_37 = arith.addf %add3A_33, %get3A_36 : vector<5000x128xf32>
    %max3A_38 = arith.constant 0.000000e+00 : f32
    %max3A_39 = vector.broadcast %max3A_38 : f32 to vector<5000x128xf32>
    %max3A_40 = arith.maximumf %add3A_37, %max3A_39 : vector<5000x128xf32>
    %swap3A = arith.constant 0 : index
    %swap3A_41 = arith.constant 0 : index
    %swap3A_42 = vector.load %arg6[%swap3A, %swap3A_41] : memref<5000x128xf32, #tpu.memory_space<vmem>>, vector<5000x128xf32>
    tpu.vector_store %arg6[%swap3A, %swap3A_41], %max3A_40 {strides = array<i32>} : memref<5000x128xf32, #tpu.memory_space<vmem>>, vector<5000x128xf32>,
    %broadcast_in_dim3A = vector.shape_cast %div3A_12 : vector<5000x1xf32> to vector<5000x1xf32>
    %broadcast_in_dim3A_43 = vector.broadcast %broadcast_in_dim3A : vector<5000x1xf32> to vector<5000x8xf32>
    %swap3A_44 = arith.constant 0 : index
    %swap3A_45 = arith.constant 0 : index
    %swap3A_46 = vector.load %arg7[%swap3A_44, %swap3A_45] : memref<5000x8xf32, #tpu.memory_space<vmem>>, vector<5000x8xf32>
    tpu.vector_store %arg7[%swap3A_44, %swap3A_45], %broadcast_in_dim3A_43 {strides = array<i32>} : memref<5000x8xf32, #tpu.memory_space<vmem>>, vector<5000x8xf32>,
    return
  }
  func.func @transform_0(%arg0: i32) -> (i32, i32, i32) {
    %c0_i32 = arith.constant 0 : i32
    %c0_i32_0 = arith.constant 0 : i32
    %c0_i32_1 = arith.constant 0 : i32
    return %c0_i32, %arg0, %c0_i32_0 : i32, i32, i32
  }
  func.func @transform_1(%arg0: i32) -> (i32, i32, i32) {
    %c0_i32 = arith.constant 0 : i32
    %c0_i32_0 = arith.constant 0 : i32
    %c0_i32_1 = arith.constant 0 : i32
    return %c0_i32, %arg0, %c0_i32_0 : i32, i32, i32
  }
  func.func @transform_2(%arg0: i32) -> (i32, i32) {
    %c0_i32 = arith.constant 0 : i32
    %c0_i32_0 = arith.constant 0 : i32
    return %arg0, %c0_i32 : i32, i32
  }
  func.func @transform_3(%arg0: i32) -> (i32, i32) {
    %c0_i32 = arith.constant 0 : i32
    %c0_i32_0 = arith.constant 0 : i32
    %c0_i32_1 = arith.constant 0 : i32
    return %c0_i32, %c0_i32_0 : i32, i32
  }
  func.func @transform_4(%arg0: i32) -> (i32, i32) {
    %c0_i32 = arith.constant 0 : i32
    %c0_i32_0 = arith.constant 0 : i32
    %c0_i32_1 = arith.constant 0 : i32
    return %c0_i32, %c0_i32_0 : i32, i32
  }
  func.func @transform_5(%arg0: i32) -> (i32, i32) {
    %c0_i32 = arith.constant 0 : i32
    %c0_i32_0 = arith.constant 0 : i32
    return %arg0, %c0_i32 : i32, i32
  }
  func.func @transform_6(%arg0: i32) -> (i32, i32) {
    %c0_i32 = arith.constant 0 : i32
    %c0_i32_0 = arith.constant 0 : i32
    return %arg0, %c0_i32 : i32, i32
  }
}

module attributes {stable_mosaic.version = 14 : i64} {
  func.func @_mm_body(%arg0: i32, %arg1: memref<5000x128xf32, #tpu.memory_space<vmem>>, %arg2: memref<128x128xf32, #tpu.memory_space<vmem>>, %arg3: memref<128x128xf32, #tpu.memory_space<vmem>>, %arg4: memref<5000x128xf32, #tpu.memory_space<vmem>>, %arg5: memref<5000x128xf32, #tpu.memory_space<vmem>>) attributes {dimension_semantics = [#tpu.dimension_semantics<arbitrary>], iteration_bounds = array<i64: 2>, scalar_prefetch = 0 : i64, scratch_operands = 0 : i64, tpu.core_type = #tpu.core_type<tc>, window_params = [{transform_indices = @transform_0, window_bounds = array<i64: 5000, 128>}, {pipeline_mode = #tpu.pipeline_mode<synchronous>, transform_indices = @transform_1, window_bounds = array<i64: 128, 128>}, {pipeline_mode = #tpu.pipeline_mode<synchronous>, transform_indices = @transform_2, window_bounds = array<i64: 128, 128>}, {transform_indices = @transform_3, window_bounds = array<i64: 5000, 128>}, {transform_indices = @transform_4, window_bounds = array<i64: 5000, 128>}]} {
    %get3A = arith.constant 0 : index
    %get3A_0 = arith.constant 0 : index
    %get3A_1 = vector.load %arg1[%get3A, %get3A_0] : memref<5000x128xf32, #tpu.memory_space<vmem>>, vector<5000x128xf32>
    %get3A_2 = arith.constant 0 : index
    %get3A_3 = arith.constant 0 : index
    %get3A_4 = vector.load %arg2[%get3A_2, %get3A_3] : memref<128x128xf32, #tpu.memory_space<vmem>>, vector<128x128xf32>
    %dot_general3A = arith.constant dense<0.000000e+00> : vector<5000x128xf32>
    %dot_general3A_5 = tpu.matmul %get3A_1, %get3A_4, %dot_general3A {dimension_numbers = #tpu.dot_dimension_numbers<[1], [0], [0], [1], [0, 0, 1, 1], [], []>, transpose_lhs_hint = false} : vector<5000x128xf32>, vector<128x128xf32>, vector<5000x128xf32> -> vector<5000x128xf32>
    %swap3A = arith.constant 0 : index
    %swap3A_6 = arith.constant 0 : index
    %swap3A_7 = vector.load %arg4[%swap3A, %swap3A_6] : memref<5000x128xf32, #tpu.memory_space<vmem>>, vector<5000x128xf32>
    tpu.vector_store %arg4[%swap3A, %swap3A_6], %dot_general3A_5 {strides = array<i32>} : memref<5000x128xf32, #tpu.memory_space<vmem>>, vector<5000x128xf32>,
    %get3A_8 = arith.constant 0 : index
    %get3A_9 = arith.constant 0 : index
    %get3A_10 = vector.load %arg3[%get3A_8, %get3A_9] : memref<128x128xf32, #tpu.memory_space<vmem>>, vector<128x128xf32>
    %dot_general3A_11 = arith.constant dense<0.000000e+00> : vector<5000x128xf32>
    %dot_general3A_12 = tpu.matmul %get3A_1, %get3A_10, %dot_general3A_11 {dimension_numbers = #tpu.dot_dimension_numbers<[1], [0], [0], [1], [0, 0, 1, 1], [], []>, transpose_lhs_hint = false} : vector<5000x128xf32>, vector<128x128xf32>, vector<5000x128xf32> -> vector<5000x128xf32>
    %swap3A_13 = arith.constant 0 : index
    %swap3A_14 = arith.constant 0 : index
    %swap3A_15 = vector.load %arg5[%swap3A_13, %swap3A_14] : memref<5000x128xf32, #tpu.memory_space<vmem>>, vector<5000x128xf32>
    tpu.vector_store %arg5[%swap3A_13, %swap3A_14], %dot_general3A_12 {strides = array<i32>} : memref<5000x128xf32, #tpu.memory_space<vmem>>, vector<5000x128xf32>,
    return
  }
  func.func @transform_0(%arg0: i32) -> (i32, i32) {
    %c0_i32 = arith.constant 0 : i32
    %c0_i32_0 = arith.constant 0 : i32
    return %arg0, %c0_i32 : i32, i32
  }
  func.func @transform_1(%arg0: i32) -> (i32, i32) {
    %c0_i32 = arith.constant 0 : i32
    %c0_i32_0 = arith.constant 0 : i32
    %c0_i32_1 = arith.constant 0 : i32
    return %c0_i32, %c0_i32_0 : i32, i32
  }
  func.func @transform_2(%arg0: i32) -> (i32, i32) {
    %c0_i32 = arith.constant 0 : i32
    %c0_i32_0 = arith.constant 0 : i32
    %c0_i32_1 = arith.constant 0 : i32
    return %c0_i32, %c0_i32_0 : i32, i32
  }
  func.func @transform_3(%arg0: i32) -> (i32, i32) {
    %c0_i32 = arith.constant 0 : i32
    %c0_i32_0 = arith.constant 0 : i32
    return %arg0, %c0_i32 : i32, i32
  }
  func.func @transform_4(%arg0: i32) -> (i32, i32) {
    %c0_i32 = arith.constant 0 : i32
    %c0_i32_0 = arith.constant 0 : i32
    return %arg0, %c0_i32 : i32, i32
  }
}

module attributes {stable_mosaic.version = 14 : i64} {
  func.func @_out_body(%arg0: i32, %arg1: memref<2x5000x128xf32, #tpu.memory_space<vmem>>, %arg2: memref<5000x8xf32, #tpu.memory_space<vmem>>, %arg3: memref<5000x128xf32, #tpu.memory_space<vmem>>, %arg4: memref<5000x128xf32, #tpu.memory_space<vmem>>, %arg5: memref<128x128xf32, #tpu.memory_space<vmem>>, %arg6: memref<128x128xf32, #tpu.memory_space<vmem>>, %arg7: memref<1x128xf32, #tpu.memory_space<vmem>>, %arg8: memref<1x128xf32, #tpu.memory_space<vmem>>, %arg9: memref<5000x128xf32, #tpu.memory_space<vmem>>, %arg10: memref<5000x128xf32, #tpu.memory_space<vmem>>) attributes {dimension_semantics = [#tpu.dimension_semantics<arbitrary>], iteration_bounds = array<i64: 2>, scalar_prefetch = 0 : i64, scratch_operands = 0 : i64, tpu.core_type = #tpu.core_type<tc>, window_params = [{transform_indices = @transform_0, window_bounds = array<i64: 2, 5000, 128>}, {transform_indices = @transform_1, window_bounds = array<i64: 5000, 8>}, {transform_indices = @transform_2, window_bounds = array<i64: 5000, 128>}, {transform_indices = @transform_3, window_bounds = array<i64: 5000, 128>}, {pipeline_mode = #tpu.pipeline_mode<synchronous>, transform_indices = @transform_4, window_bounds = array<i64: 128, 128>}, {pipeline_mode = #tpu.pipeline_mode<synchronous>, transform_indices = @transform_5, window_bounds = array<i64: 128, 128>}, {pipeline_mode = #tpu.pipeline_mode<synchronous>, transform_indices = @transform_6, window_bounds = array<i64: 1, 128>}, {pipeline_mode = #tpu.pipeline_mode<synchronous>, transform_indices = @transform_7, window_bounds = array<i64: 1, 128>}, {transform_indices = @transform_8, window_bounds = array<i64: 5000, 128>}, {transform_indices = @transform_9, window_bounds = array<i64: 5000, 128>}]} {
    %get3A = arith.constant 0 : index
    %get3A_0 = arith.constant 0 : index
    %get3A_1 = arith.constant 0 : index
    %get3A_2 = vector.load %arg1[%get3A, %get3A_0, %get3A_1] : memref<2x5000x128xf32, #tpu.memory_space<vmem>>, vector<1x5000x128xf32>
    %get3A_3 = vector.shape_cast %get3A_2 : vector<1x5000x128xf32> to vector<5000x128xf32>
    %get3A_4 = arith.constant 1 : index
    %get3A_5 = arith.constant 0 : index
    %get3A_6 = arith.constant 0 : index
    %get3A_7 = vector.load %arg1[%get3A_4, %get3A_5, %get3A_6] : memref<2x5000x128xf32, #tpu.memory_space<vmem>>, vector<1x5000x128xf32>
    %get3A_8 = vector.shape_cast %get3A_7 : vector<1x5000x128xf32> to vector<5000x128xf32>
    %add3A = arith.addf %get3A_3, %get3A_8 : vector<5000x128xf32>
    %get3A_9 = arith.constant 0 : index
    %get3A_10 = arith.constant 0 : index
    %get3A_11 = vector.load %arg2[%get3A_9, %get3A_10] : memref<5000x8xf32, #tpu.memory_space<vmem>>, vector<5000x1xf32>
    %mul3A = vector.broadcast %get3A_11 : vector<5000x1xf32> to vector<5000x128xf32>
    %mul3A_12 = arith.mulf %add3A, %mul3A : vector<5000x128xf32>
    %get3A_13 = arith.constant 0 : index
    %get3A_14 = arith.constant 0 : index
    %get3A_15 = vector.load %arg5[%get3A_13, %get3A_14] : memref<128x128xf32, #tpu.memory_space<vmem>>, vector<128x128xf32>
    %dot_general3A = arith.constant dense<0.000000e+00> : vector<5000x128xf32>
    %dot_general3A_16 = tpu.matmul %mul3A_12, %get3A_15, %dot_general3A {dimension_numbers = #tpu.dot_dimension_numbers<[1], [0], [0], [1], [0, 0, 1, 1], [], []>, transpose_lhs_hint = false} : vector<5000x128xf32>, vector<128x128xf32>, vector<5000x128xf32> -> vector<5000x128xf32>
    %get3A_17 = arith.constant 0 : index
    %get3A_18 = arith.constant 0 : index
    %get3A_19 = vector.load %arg7[%get3A_17, %get3A_18] : memref<1x128xf32, #tpu.memory_space<vmem>>, vector<1x128xf32>
    %add3A_20 = vector.broadcast %get3A_19 : vector<1x128xf32> to vector<5000x128xf32>
    %add3A_21 = arith.addf %dot_general3A_16, %add3A_20 : vector<5000x128xf32>
    %get3A_22 = arith.constant 0 : index
    %get3A_23 = arith.constant 0 : index
    %get3A_24 = vector.load %arg3[%get3A_22, %get3A_23] : memref<5000x128xf32, #tpu.memory_space<vmem>>, vector<5000x128xf32>
    %add3A_25 = arith.addf %add3A_21, %get3A_24 : vector<5000x128xf32>
    %swap3A = arith.constant 0 : index
    %swap3A_26 = arith.constant 0 : index
    %swap3A_27 = vector.load %arg9[%swap3A, %swap3A_26] : memref<5000x128xf32, #tpu.memory_space<vmem>>, vector<5000x128xf32>
    tpu.vector_store %arg9[%swap3A, %swap3A_26], %add3A_25 {strides = array<i32>} : memref<5000x128xf32, #tpu.memory_space<vmem>>, vector<5000x128xf32>,
    %get3A_28 = arith.constant 0 : index
    %get3A_29 = arith.constant 0 : index
    %get3A_30 = vector.load %arg6[%get3A_28, %get3A_29] : memref<128x128xf32, #tpu.memory_space<vmem>>, vector<128x128xf32>
    %dot_general3A_31 = arith.constant dense<0.000000e+00> : vector<5000x128xf32>
    %dot_general3A_32 = tpu.matmul %mul3A_12, %get3A_30, %dot_general3A_31 {dimension_numbers = #tpu.dot_dimension_numbers<[1], [0], [0], [1], [0, 0, 1, 1], [], []>, transpose_lhs_hint = false} : vector<5000x128xf32>, vector<128x128xf32>, vector<5000x128xf32> -> vector<5000x128xf32>
    %get3A_33 = arith.constant 0 : index
    %get3A_34 = arith.constant 0 : index
    %get3A_35 = vector.load %arg8[%get3A_33, %get3A_34] : memref<1x128xf32, #tpu.memory_space<vmem>>, vector<1x128xf32>
    %add3A_36 = vector.broadcast %get3A_35 : vector<1x128xf32> to vector<5000x128xf32>
    %add3A_37 = arith.addf %dot_general3A_32, %add3A_36 : vector<5000x128xf32>
    %get3A_38 = arith.constant 0 : index
    %get3A_39 = arith.constant 0 : index
    %get3A_40 = vector.load %arg4[%get3A_38, %get3A_39] : memref<5000x128xf32, #tpu.memory_space<vmem>>, vector<5000x128xf32>
    %add3A_41 = arith.addf %add3A_37, %get3A_40 : vector<5000x128xf32>
    %swap3A_42 = arith.constant 0 : index
    %swap3A_43 = arith.constant 0 : index
    %swap3A_44 = vector.load %arg10[%swap3A_42, %swap3A_43] : memref<5000x128xf32, #tpu.memory_space<vmem>>, vector<5000x128xf32>
    tpu.vector_store %arg10[%swap3A_42, %swap3A_43], %add3A_41 {strides = array<i32>} : memref<5000x128xf32, #tpu.memory_space<vmem>>, vector<5000x128xf32>,
    return
  }
  func.func @transform_0(%arg0: i32) -> (i32, i32, i32) {
    %c0_i32 = arith.constant 0 : i32
    %c0_i32_0 = arith.constant 0 : i32
    %c0_i32_1 = arith.constant 0 : i32
    return %c0_i32, %arg0, %c0_i32_0 : i32, i32, i32
  }
  func.func @transform_1(%arg0: i32) -> (i32, i32) {
    %c0_i32 = arith.constant 0 : i32
    %c0_i32_0 = arith.constant 0 : i32
    return %arg0, %c0_i32 : i32, i32
  }
  func.func @transform_2(%arg0: i32) -> (i32, i32) {
    %c0_i32 = arith.constant 0 : i32
    %c0_i32_0 = arith.constant 0 : i32
    return %arg0, %c0_i32 : i32, i32
  }
  func.func @transform_3(%arg0: i32) -> (i32, i32) {
    %c0_i32 = arith.constant 0 : i32
    %c0_i32_0 = arith.constant 0 : i32
    return %arg0, %c0_i32 : i32, i32
  }
  func.func @transform_4(%arg0: i32) -> (i32, i32) {
    %c0_i32 = arith.constant 0 : i32
    %c0_i32_0 = arith.constant 0 : i32
    %c0_i32_1 = arith.constant 0 : i32
    return %c0_i32, %c0_i32_0 : i32, i32
  }
  func.func @transform_5(%arg0: i32) -> (i32, i32) {
    %c0_i32 = arith.constant 0 : i32
    %c0_i32_0 = arith.constant 0 : i32
    %c0_i32_1 = arith.constant 0 : i32
    return %c0_i32, %c0_i32_0 : i32, i32
  }
  func.func @transform_6(%arg0: i32) -> (i32, i32) {
    %c0_i32 = arith.constant 0 : i32
    %c0_i32_0 = arith.constant 0 : i32
    %c0_i32_1 = arith.constant 0 : i32
    return %c0_i32, %c0_i32_0 : i32, i32
  }
  func.func @transform_7(%arg0: i32) -> (i32, i32) {
    %c0_i32 = arith.constant 0 : i32
    %c0_i32_0 = arith.constant 0 : i32
    %c0_i32_1 = arith.constant 0 : i32
    return %c0_i32, %c0_i32_0 : i32, i32
  }
  func.func @transform_8(%arg0: i32) -> (i32, i32) {
    %c0_i32 = arith.constant 0 : i32
    %c0_i32_0 = arith.constant 0 : i32
    return %arg0, %c0_i32 : i32, i32
  }
  func.func @transform_9(%arg0: i32) -> (i32, i32) {
    %c0_i32 = arith.constant 0 : i32
    %c0_i32_0 = arith.constant 0 : i32
    return %arg0, %c0_i32 : i32, i32
  }
}

</mosaic_0001>

<sc_bundles>
// kernel: kernel.11.cloned.1.call-start
scs
__scs_entry_jumppad:
0x0: {  	(pc) =	sbr.rel $0x88, $3  }
0x1: {  	(tag) =	ssettag $0x0;
	lr =	simm.s32 $0x1  }
0x2: {  	[smem:$0x3F96] =	sst lr;
	_ =	strace $0xD0000000  }
0x3: {  	_ = 	snop  }
0x4: {  	_ = 	snop  }
0x5: {  	_ = 	snop  }
0x6: {  	_ = 	snop  }
0x7: {  	_ = 	snop  }
__scs_overlays_trampoline_lowered:
0x8: {  	[smem:$0x3FA5] =	sst s0  }
0x9: {  	[smem:$0x3FA6] =	sst s1  }
0xa: {  	[smem:$0x3FA7] =	sst s2  }
0xb: {  	[smem:$0x3FA8] =	sst s3  }
0xc: {  	[smem:$0x3FA9] =	sst s4  }
0xd: {  	[smem:$0x3FAA] =	sst s5  }
0xe: {  	[smem:$0x3FAB] =	sst s6  }
0xf: {  	[smem:$0x3FAC] =	sst s7  }
0x10: {  	[smem:$0x3FAD] =	sst s8  }
0x11: {  	[smem:$0x3FAE] =	sst s9;
	s0 =	simm.s32 @!p0 $0x0  }
0x12: {  	s1 =	sld [smem:$0x3F94];
	s0 =	simm.s32 @p0 $0x1  }
0x13: {  	[smem:$0x3FAF] =	sst s0;
	s0 =	simm.s32 @!p1 $0x0  }
0x14: {  	s2 =	sld [smem:$0x3F93];
	s0 =	simm.s32 @p1 $0x1  }
0x15: {  	[smem:$0x3FB0] =	sst s0;
	s0 =	simm.s32 @!p2 $0x0  }
0x16: {  	s3 =	sld [smem:$0x3FDB];
	s0 =	simm.s32 @p2 $0x1  }
0x17: {  	s4 =	simm.s32 $0x1BF5;
	[smem:$0x3FB2] =	sst s0  }
0x18: {  	s0 =	sld [smem:$0x3F95];
	_ =	swait.ge [sflag:s4], $0x0  }
0x19: {  	s7 =	sld [smem:$0x3F96]  }
0x1a: {  	s8 =	sadd.s32 $0xFFFFE003, lr  }
0x1b: {  	s9 =	sadd.s32 $0xFFFFFEF7, lr;
	s5 =	simm.s32 $0xFFFFFFFF;
	p2 =	slt.u32 s8, $0xFFFFF086  }
0x1c: {  	p1 =	slt.u32 s9, $0xF7A;
	s5 =	simm.s32 @!p2 $0x0  }
0x1d: {  	s5 =	simm.s32 @p1 $0x1;
	p0 =	seq.s32 s7, s2  }
0x1e: {  	s7 =	smul.u32 @!p0 $0xF7A, s2;
	p2 =	seq.s32 @!p0 s5, $0x0  }
0x1f: {  	s9 =	smul.u32 $0xF7A, s1;
	s8 =	simm.s32 @!p0 $0x1BF5;
	p2 =	por !p2, p0  }
0x20: {  	[sflag:s8] =	ssyncset.s32 @!p0 $0xFFFFF086;
	s6 =	sadd.s32 @!p0 s3, s7;
	s7 =	simm.s32 @!p0 $0x108  }
0x21: {  	s3 =	sadd.s32 s3, s9;
	s6 =	sadd.s32 @!p0 $0x88, s6;
	s7 =	simm.s32 @p2 $0x1082  }
0x22: {  	[simem:s7], [sflag:s8] =	dma.local @!p0 [hbm:s6], $0xF7A  }
0x23: {  	s9 =	sor.u32 $0xD0000000, s2;
	s6 =	simm.s32 $0x108;
	_ =	swait.ge @!p0 [sflag:s8], $0x0  }
0x24: {  	s3 =	sadd.s32 $0x88, s3;
	s6 =	simm.s32 @!p1 $0x1082;
	[sflag:s4] =	ssyncset.s32 $0xFFFFF086  }
0x25: {  	[simem:s6], [sflag:s4] =	dma.local [hbm:s3], $0xF7A  }
0x26: {  	[smem:$0x3F96] =	sst s1;
	(tag) =	ssettag s2;
	_ =	strace s9  }
0x27: {  	s1 =	sld [smem:$0x3FA6]  }
0x28: {  	s2 =	sld [smem:$0x3FA7]  }
0x29: {  	s4 =	sld [smem:$0x3FA9]  }
0x2a: {  	p0 =	seq.s32 s5, $0x0;
	s5 =	sld [smem:$0x3FAA]  }
0x2b: {  	s6 =	sld [smem:$0x3FAB]  }
0x2c: {  	s7 =	sld [smem:$0x3FAC]  }
0x2d: {  	s3 =	simm.s32 $0x108;
	s8 =	sld [smem:$0x3FAD]  }
0x2e: {  	s3 =	simm.s32 @!p0 $0x1082;
	s9 =	sld [smem:$0x3FAE]  }
0x2f: {  	lr =	sadd.s32 s0, s3;
	s0 =	sld [smem:$0x3FA5]  }
0x30: {  	s3 =	sld [smem:$0x3FA8]  }
0x31: {  	[smem:$0x3FB1] =	sst s10  }
0x32: {  	s10 =	sld [smem:$0x3FAF];
	_ =	sdelay $0x3  }
0x33: {  	p0 =	seq.s32 s10, $0x1;
	s10 =	sld [smem:$0x3FB1];
	_ =	sdelay $0x3  }
0x34: {  	[smem:$0x3FB1] =	sst s10  }
0x35: {  	s10 =	sld [smem:$0x3FB0];
	_ =	sdelay $0x3  }
0x36: {  	p1 =	seq.s32 s10, $0x1;
	s10 =	sld [smem:$0x3FB1];
	_ =	sdelay $0x3  }
0x37: {  	[smem:$0x3FB1] =	sst s10  }
0x38: {  	s10 =	sld [smem:$0x3FB2]  }
0x39: {  	_ = 	snop;
	(pc) =	sbr.ind lr, $3  }
0x3a: {  	_ = 	snop  }
0x3b: {  	_ = 	snop  }
0x3c: {  	p2 =	seq.s32 s10, $0x1;
	s10 =	sld [smem:$0x3FB1]  }
0x3d: {  	_ =	shalt  }
0x3e: {  	_ =	shalt  }
0x3f: {  	_ =	shalt  }
0x40: {  	_ =	shalt  }
0x41: {  	_ =	shalt  }
0x42: {  	_ =	shalt  }
0x43: {  	_ =	shalt  }
0x44: {  	_ =	shalt  }
0x45: {  	_ =	shalt  }
0x46: {  	_ =	shalt  }
0x47: {  	_ =	shalt  }
0x48: {  	_ =	shalt  }
0x49: {  	_ =	shalt  }
0x4a: {  	_ =	shalt  }
0x4b: {  	_ =	shalt  }
0x4c: {  	_ =	shalt  }
0x4d: {  	_ =	shalt  }
0x4e: {  	_ =	shalt  }
0x4f: {  	_ =	shalt  }
0x50: {  	_ =	shalt  }
0x51: {  	_ =	shalt  }
0x52: {  	_ =	shalt  }
0x53: {  	_ =	shalt  }
0x54: {  	_ =	shalt  }
0x55: {  	_ =	shalt  }
0x56: {  	_ =	shalt  }
0x57: {  	_ =	shalt  }
0x58: {  	_ =	shalt  }
0x59: {  	_ =	shalt  }
0x5a: {  	_ =	shalt  }
0x5b: {  	_ =	shalt  }
0x5c: {  	_ =	shalt  }
0x5d: {  	_ =	shalt  }
0x5e: {  	_ =	shalt  }
0x5f: {  	_ =	shalt  }
0x60: {  	_ =	shalt  }
0x61: {  	_ =	shalt  }
0x62: {  	_ =	shalt  }
0x63: {  	_ =	shalt  }
0x64: {  	_ =	shalt  }
0x65: {  	_ =	shalt  }
0x66: {  	_ =	shalt  }
0x67: {  	_ =	shalt  }
0x68: {  	_ =	shalt  }
0x69: {  	_ =	shalt  }
0x6a: {  	_ =	shalt  }
0x6b: {  	_ =	shalt  }
0x6c: {  	_ =	shalt  }
0x6d: {  	_ =	shalt  }
0x6e: {  	_ =	shalt  }
0x6f: {  	_ =	shalt  }
0x70: {  	_ =	shalt  }
0x71: {  	_ =	shalt  }
0x72: {  	_ =	shalt  }
0x73: {  	_ =	shalt  }
0x74: {  	_ =	shalt  }
0x75: {  	_ =	shalt  }
0x76: {  	_ =	shalt  }
0x77: {  	_ =	shalt  }
0x78: {  	_ =	shalt  }
0x79: {  	_ =	shalt  }
0x7a: {  	_ =	shalt  }
0x7b: {  	_ =	shalt  }
0x7c: {  	_ =	shalt  }
0x7d: {  	_ =	shalt  }
0x7e: {  	_ =	shalt  }
0x7f: {  	_ =	shalt  }
0x80: {  	_ =	shalt  }
0x81: {  	_ =	shalt  }
0x82: {  	_ =	shalt  }
0x83: {  	_ =	shalt  }
0x84: {  	_ =	shalt  }
0x85: {  	_ =	shalt  }
0x86: {  	_ =	shalt  }
0x87: {  	_ =	shalt  }
.Lfunc_end0:
.L_simem_size_0:
called_computation.1_lowered:
.L_overlay_start_0:
0x88: {  	s2 =	sld [smem:$0x3FD9]  }
0x89: {  	s3 =	sld [smem:$0x3FFE];
	_ =	sdelay $0x1  }
0x8a: {  	s1 =	srdreg.scid  }
0x8b: {  	s0 =	sand.u32 $0x1, s1  }
0x8c: {  	s14 =	sshll.u32 s0, $0xA;
	s2 =	sadd.s32 s3, s2  }
0x8d: {  	s2 =	sadd.s32 s2, s14  }
0x8e: {  	[smem:$0x3FBD] =	sst s2  }
0x8f: {  	_ = 	snop  }
0x90: {  	s2 =	sld [smem:$0x3FD0];
	_ =	sdelay $0x2  }
0x91: {  	s15 =	simm.s32 $0xA;
	s4 =	simm.s32 $0x10  }
0x92: {  	[smem:s4], [sflag:s15] =	dma.local [hbm:s2], $0x1  }
0x93: {  	_ =	swait.eq [sflag:s15], $0x1  }
0x94: {  	[sflag:s15] =	ssyncset.done $0x0  }
0x95: {  	[sflag:s15] =	ssyncadd.s32 $0xFFFFFFFF  }
0x96: {  	s16 =	sld [smem:$0x10];
	(tm) =	ssettm $0x1  }
0x97: {  	s17 =	sld [smem:$0x3FFB];
	_ =	sdelay $0x3  }
0x98: {  	_ =	strace s17  }
0x99: {  	s3 =	sld [smem:$0x3FFC];
	_ =	sdelay $0x3  }
0x9a: {  	_ =	strace s3  }
0x9b: {  	s3 =	sld [smem:$0x3FFD];
	_ =	sdelay $0x3  }
0x9c: {  	_ =	strace s3  }
0x9d: {  	_ =	strace $0x8FFFFFFF  }
0x9e: {  	s18 =	sld [smem:$0x3FDB];
	_ =	sdelay $0x1  }
0x9f: {  	s19 =	simm.s32 $_scs_section_size  }
0xa0: {  	s5 =	simm.s32 $_size__tile_overlayer_lowered;
	s6 =	simm.s32 $_tile_overlayer_lowered  }
0xa1: {  	s22 =	simm.s32 $0x1BFF;
	s21 =	sshll.u32 s6, $0x1;
	s3 =	sadd.s32 s19, s18  }
0xa2: {  	s7 =	simm.s32 $0x0;
	s20 =	sshll.u32 s5, $0x1;
	s5 =	sadd.s32 s21, s3  }
0xa3: {  	[timem:s7], [sflag:s22] =	dma.local [hbm:s5], s20  }
0xa4: {  	_ =	swait.ge [sflag:s22], s20  }
0xa5: {  	s4 =	ssub.s32 $0x0, s20;
	[sflag:s22] =	ssyncset.done $0x0  }
0xa6: {  	[sflag:s22] =	ssyncadd.s32 s4;
	_ =	sdelay $0x1  }
0xa7: {  	s23 =	simm.s32 $0x1B8B  }
0xa8: {  	_ =	swait.ge [sflag:s23], $0x1  }
0xa9: {  	[sflag:s23] =	ssyncset.done $0x0  }
0xaa: {  	s25 =	simm.s32 $0x1B8E;
	s24 =	sld [smem:$0x3FFE];
	[sflag:s23] =	ssyncadd.s32 $0xFFFFFFFF  }
0xab: {  	s26 =	simm.s32 $execute0_lowered;
	[smem:$0x3FD2] =	sst s25  }
0xac: {  	s5 =	sshll.u32 s26, $0x1;
	_ =	strace $0x80000049;
	[dreg:$0x1] =	wrdreg $0xFFFFFFFF  }
0xad: {  	s28 =	simm.s32 $_size_execute0_lowered;
	s3 =	sadd.s32 s3, s5;
	[dreg:$0x0] =	wrdreg $0x0  }
0xae: {  	s5 =	sshll.u32 s28, $0x1;
	[dreg:$0x2] =	wrdreg s3  }
0xaf: {  	[dreg:$0x3] =	wrdreg s5  }
0xb0: {  	[dreg:$0x4] =	wrdreg $0xC0  }
0xb1: {  	_ =	task [dreg:s7], $0x5FFFF  }
0xb2: {  	[dreg:$0x1] =	wrdreg $0xFFFFFFFF  }
0xb3: {  	[dreg:$0x0] =	wrdreg $0x60  }
0xb4: {  	[dreg:$0x2] =	wrdreg s16  }
0xb5: {  	[dreg:$0x3] =	wrdreg s24  }
0xb6: {  	[dreg:$0x4] =	wrdreg $0xA8000  }
0xb7: {  	[dreg:$0x5] =	wrdreg $0x9  }
0xb8: {  	_ =	task.clear_ibuf [dreg:s7], $0x6FFFF;
	_ =	strace $0x90000049  }
0xb9: {  	s29 =	simm.s32 $0x9;
	_ =	strace $0x8000004B  }
0xba: {  	_ =	swait.ge [sflag:s29], $0x1  }
0xbb: {  	[sflag:s29] =	ssyncadd.s32 $0xFFFFFFFF  }
0xbc: {  	_ =	strace $0x9000004B  }
0xbd: {  	_ =	sfence  }
0xbe: {  	s30 =	sld [smem:$0x0];
	_ =	sdelay $0x2  }
0xbf: {  	s31 =	sshll.u32 s1, $0xD;
	s1 =	sshrl.u32 s1, $0x2  }
0xc0: {  	s3 =	sand.u32 $0x4000, s31;
	s1 =	sadd.s32 s1, s30  }
0xc1: {  	s0 =	sor.u32 s3, s0;
	s1 =	sshll.u32 s1, $0x11  }
0xc2: {  	s0 =	sor.u32 s1, s0  }
0xc3: {  	s0 =	sadd.s32 $0x8F2B, s0  }
0xc4: {  	[sflag:s0] =	ssyncadd.remote.s32 $0x1  }
0xc5: {  	_ =	sfence.sel $0xFFFF  }
0xc6: {  	[dreg:$0x0] =	wrdreg $0xFFFFFFFF;
	(pc) =	sbr.abs _section_cstart, $3  }
0xc7: {  	[dreg:$0x1] =	wrdreg $0xFFFFFFFF  }
0xc8: {  	_ =	task.clear_ibuf [dreg:s7], $0x2FFFF;
	_ =	strace $0x9FFFFFFF  }
0xc9: {  	(tm) =	ssettm $0x7FFFFFFF  }
tec
execute0_lowered:
.L_overlay_start_1:
0x0: {  	(tag) =	ssettag $0x1  }
0x1: {  	s0 =	rddreg [dreg:$0x0]  }
0x2: {  	s5 =	rddreg [dreg:$0x1];
	s1 =	srdreg.scid  }
0x3: {  	s3 =	rddreg [dreg:$0x2];
	s2 =	stileid.u32;
	s4 =	simm.s32 $0x0  }
0x4: {  	s17 =	simm.s32 $0x5;
	s18 =	simm.s32 $0x1400;
	s19 =	simm.s32 $0x80  }
0x5: {  	s20 =	simm.s32 $0x6800;
	s21 =	simm.s32 $0x1;
	s22 =	simm.s32 $0x2  }
0x6: {  	s23 =	simm.s32 $0x3;
	s24 =	simm.s32 $0x100;
	s28 =	simm.s32 $0x0  }
0x7: {  	s6 =	sand.u32 $0x1, s1;
	s1 =	rddreg [dreg:$0x3];
	s8 =	smul.u32 $0x13C00, s2  }
0x8: {  	[smem:$0x7FF] =	sst s4;
	s14 =	sadd.s32 $0x3200, s5;
	s9 =	smul.u32 $0x4F000, s2  }
0x9: {  	s15 =	sadd.s32 $0xD200, s5;
	s30 =	sshll.u32 s2, $0x2;
	s7 =	smul.u32 $0x13C000, s6  }
0xa: {  	_ =	strace $0x8000004A;
	s25 =	ssub.s32 $0x2, s6;
	s6 =	sshll.u32 s6, $0x1  }
0xb: {  	s26 =	sshrl.u32 s25, $0x1;
	s29 =	sshrl.u32 s9, $0x2;
	s31 =	sor.u32 s6, s30  }
0xc: {  	s7 =	sadd.s32 s8, s7;
	s11 =	ssub.s32 s25, s26;
	s13 =	smul.u32 $0x280, s31  }
0xd: {  	s25 =	simm.s32 $0x1480;
	s26 =	simm.s32 $0x4;
	s7 =	sshrl.u32 s7, $0x3  }
.Ltmp0:
0xe: {  	s11 =	smax.u32 s11, $0x1;
	s10 =	sadd.s32 s7, s5;
	(pc) =	sbr.rel .LBB2_1-.Ltmp0, $4  }
0xf: {  	s5 =	sadd.s32 s29, s3;
	s12 =	sadd.s32 s14, s13;
	s16 =	sadd.s32 $0x280, s13  }
0x10: {  	s13 =	sadd.s32 s15, s13;
	s6 =	sadd.s32 $0x4000, s5;
	s7 =	sadd.s32 $0x8000, s5  }
0x11: {  	s8 =	sadd.s32 $0xC000, s5;
	s9 =	sadd.s32 $0x10000, s5;
	s10 =	sadd.s32 $0x17200, s10  }
0x12: {  	v0 =	vimm.f32 $0.0e+00;
	s14 =	sadd.s32 s14, s16;
	s15 =	sadd.s32 s15, s16;
	s16 =	simm.s32 $0x2800  }
.LBB2_9:
0x13: {  	[spmem:s3] =	stream.indirect.scatter.add.f32 [tilespmem:s20], [sflag:$0x4], $0x80, s31, s19, $0xb8;
	[tilespmem:$0x1E400] =	vst v63  }
0x14: {  	_ =	swait.ge [sflag:s26], $0x4000  }
0x15: {  	s29 =	sshll.u32 s2, $0x6;
	s28 =	sadd.s32 $0x1, s28;
	[sflag:s26] =	ssyncset.done $0x0  }
0x16: {  	s30 =	sshrl.u32 s5, $0x3;
	p0 =	sne.s32 s28, s11;
	[sflag:s26] =	ssyncadd.s32 $0xFFFFC000  }
.Ltmp1:
0x17: {  	s29 =	sor.u32 $0x1C05, s29;
	[bflag:$0x0] =	sbarrier.arrive $0xFFFF;
	(pc) =	sbr.rel @!p0 .LBB2_10-.Ltmp1, $4  }
0x18: {  	[hbm:s10], [sflag:s29] =	dma.local [spmem:s30], $0x2780  }
0x19: {  	_ =	swait.ge [sflag:s17], $0x2780  }
0x1a: {  	[sflag:s17] =	ssyncset.done $0x0  }
0x1b: {  	[sflag:s17] =	ssyncadd.s32 $0xFFFFD880  }
.LBB2_1:
0x1c: {  	s29 =	simm.s32 $0x0;
	s30 =	simm.s32 $0x200  }
.LBB2_2:
0x1d: {  	p0 =	sne.s32 s30, $0xFE00;
	[tilespmem:s29+$0x2870] =	vst v0  }
0x1e: {  	[tilespmem:s29+$0x2800] =	vst v0  }
0x1f: {  	[tilespmem:s29+$0x2810] =	vst v0  }
.Ltmp2:
0x20: {  	[tilespmem:s29+$0x2820] =	vst v0;
	(pc) =	sbr.rel @p0 .LBB2_2-.Ltmp2, $4  }
0x21: {  	[tilespmem:s29+$0x2830] =	vst v0  }
0x22: {  	[tilespmem:s29+$0x2840] =	vst v0  }
0x23: {  	[tilespmem:s29+$0x2850] =	vst v0  }
0x24: {  	[tilespmem:s29+$0x2860] =	vst v0;
	s29 =	sshra.s32 s30, $0x2;
	s30 =	sadd.s32 $0x200, s30  }
0x25: {  	[tilespmem:s29+$0x2870] =	vst v0  }
0x26: {  	[tilespmem:s29+$0x2800] =	vst v0  }
0x27: {  	[tilespmem:s29+$0x2810] =	vst v0  }
0x28: {  	[tilespmem:s29+$0x2820] =	vst v0  }
0x29: {  	[tilespmem:s29+$0x2830] =	vst v0  }
0x2a: {  	[tilespmem:s29+$0x2840] =	vst v0  }
0x2b: {  	[tilespmem:s29+$0x2850] =	vst v0  }
0x2c: {  	[tilespmem:s29+$0x2860] =	vst v0  }
0x2d: {  	[spmem:s5] =	stream.linear.scatter [tilespmem:s16], [sflag:$0x5], $0x4000, $0x38;
	[tilespmem:$0x1E400] =	vst v63  }
0x2e: {  	_ =	swait.ge [sflag:s17], $0x4000  }
0x2f: {  	[sflag:s17] =	ssyncset.done $0x0  }
0x30: {  	[sflag:s17] =	ssyncadd.s32 $0xFFFFC000  }
0x31: {  	[spmem:s6] =	stream.linear.scatter [tilespmem:s16], [sflag:$0x5], $0x4000, $0x38;
	[tilespmem:$0x1E400] =	vst v63  }
0x32: {  	_ =	swait.ge [sflag:s17], $0x4000  }
0x33: {  	[sflag:s17] =	ssyncset.done $0x0  }
0x34: {  	[sflag:s17] =	ssyncadd.s32 $0xFFFFC000  }
0x35: {  	[spmem:s7] =	stream.linear.scatter [tilespmem:s16], [sflag:$0x5], $0x4000, $0x38;
	[tilespmem:$0x1E400] =	vst v63  }
0x36: {  	_ =	swait.ge [sflag:s17], $0x4000  }
0x37: {  	[sflag:s17] =	ssyncset.done $0x0  }
0x38: {  	[sflag:s17] =	ssyncadd.s32 $0xFFFFC000  }
0x39: {  	[spmem:s8] =	stream.linear.scatter [tilespmem:s16], [sflag:$0x5], $0x4000, $0x38;
	[tilespmem:$0x1E400] =	vst v63  }
0x3a: {  	_ =	swait.ge [sflag:s17], $0x4000  }
0x3b: {  	[sflag:s17] =	ssyncset.done $0x0  }
0x3c: {  	[sflag:s17] =	ssyncadd.s32 $0xFFFFC000  }
0x3d: {  	[spmem:s9] =	stream.linear.scatter [tilespmem:s16], [sflag:$0x5], $0x3C00, $0x38;
	[tilespmem:$0x1E400] =	vst v63  }
0x3e: {  	_ =	swait.ge [sflag:s17], $0x3C00  }
0x3f: {  	[sflag:s17] =	ssyncset.done $0x0  }
0x40: {  	[sflag:s17] =	ssyncadd.s32 $0xFFFFC400  }
0x41: {  	[bflag:$0x0] =	sbarrier.arrive $0xFFFF  }
0x42: {  	[tilespmem:s4], [sflag:$0x5] =	stream.linear.gather [hbm4b:s12+s4], $0x1400, $0x38;
	[tilespmem:$0x1E400] =	vst v63  }
0x43: {  	_ =	swait.ge [sflag:s17], $0x1400  }
0x44: {  	[sflag:s17] =	ssyncset.done $0x0  }
0x45: {  	[sflag:s17] =	ssyncadd.s32 $0xFFFFEC00  }
0x46: {  	[tilespmem:s18], [sflag:$0x5] =	stream.linear.gather [hbm4b:s13+s4], $0x1400, $0x38;
	[tilespmem:$0x1E400] =	vst v63  }
0x47: {  	_ =	swait.ge [sflag:s17], $0x1400  }
0x48: {  	[sflag:s17] =	ssyncset.done $0x0  }
0x49: {  	[sflag:s17] =	ssyncadd.s32 $0xFFFFEC00  }
0x4a: {  	[tilespmem:s16], [sflag:$0x1] =	stream.indirect.gather [hbm4b:s0+s19], $0x80, s4, s19, $0xb8;
	[tilespmem:$0x1E400] =	vst v63  }
0x4b: {  	_ = 	snop  }
0x4c: {  	[tilespmem:s20], [sflag:$0x2] =	stream.indirect.gather [hbm4b:s0+s19], $0x80, s19, s19, $0xb8;
	[tilespmem:$0x1E400] =	vst v63  }
0x4d: {  	_ =	swait.ge [sflag:s21], $0x4000  }
0x4e: {  	[sflag:s21] =	ssyncset.done $0x0  }
0x4f: {  	[sflag:s21] =	ssyncadd.s32 $0xFFFFC000  }
0x50: {  	[spmem:s3] =	stream.indirect.scatter.add.f32 [tilespmem:s16], [sflag:$0x3], $0x80, s18, s19, $0xb8;
	[tilespmem:$0x1E400] =	vst v63  }
0x51: {  	_ =	swait.ge [sflag:s22], $0x4000  }
0x52: {  	[sflag:s22] =	ssyncset.done $0x0  }
0x53: {  	[sflag:s22] =	ssyncadd.s32 $0xFFFFC000  }
0x54: {  	_ =	swait.ge [sflag:s23], $0x4000  }
0x55: {  	[sflag:s23] =	ssyncset.done $0x0  }
0x56: {  	[sflag:s23] =	ssyncadd.s32 $0xFFFFC000  }
0x57: {  	[tilespmem:s16], [sflag:$0x1] =	stream.indirect.gather [hbm4b:s0+s19], $0x80, s24, s19, $0xb8;
	[tilespmem:$0x1E400] =	vst v63  }
0x58: {  	s29 =	simm.s32 $0xFFFFB800  }
0x59: {  	[spmem:s3] =	stream.indirect.scatter.add.f32 [tilespmem:s20], [sflag:$0x4], $0x80, s25, s19, $0xb8;
	[tilespmem:$0x1E400] =	vst v63  }
.LBB2_4:
0x5a: {  	_ =	swait.ge [sflag:s26], $0x4000  }
0x5b: {  	s30 =	sshra.s32 s29, $0x2;
	[sflag:s26] =	ssyncset.done $0x0  }
0x5c: {  	s31 =	sadd.s32 $0x1380, s30;
	[sflag:s26] =	ssyncadd.s32 $0xFFFFC000  }
0x5d: {  	[tilespmem:s20], [sflag:$0x2] =	stream.indirect.gather [hbm4b:s0+s19], $0x80, s31, s19, $0xb8;
	[tilespmem:$0x1E400] =	vst v63  }
0x5e: {  	_ =	swait.ge [sflag:s21], $0x4000  }
0x5f: {  	[sflag:s21] =	ssyncset.done $0x0  }
0x60: {  	s31 =	sadd.s32 $0x2700, s30;
	[sflag:s21] =	ssyncadd.s32 $0xFFFFC000  }
0x61: {  	[spmem:s3] =	stream.indirect.scatter.add.f32 [tilespmem:s16], [sflag:$0x3], $0x80, s31, s19, $0xb8;
	[tilespmem:$0x1E400] =	vst v63  }
0x62: {  	p0 =	seq.s32 s29, $0x0;
	_ =	swait.ge [sflag:s22], $0x4000  }
.Ltmp3:
0x63: {  	[sflag:s22] =	ssyncset.done $0x0;
	(pc) =	sbr.rel @p0 .LBB2_6-.Ltmp3, $4  }
0x64: {  	[sflag:s22] =	ssyncadd.s32 $0xFFFFC000  }
0x65: {  	_ =	swait.ge [sflag:s23], $0x4000  }
0x66: {  	[sflag:s23] =	ssyncset.done $0x0  }
0x67: {  	s31 =	sadd.s32 $0x2780, s30;
	[sflag:s23] =	ssyncadd.s32 $0xFFFFC000  }
.Ltmp4:
0x68: {  	(pc) =	sbr.rel .LBB2_4-.Ltmp4, $4  }
0x69: {  	s30 =	sadd.s32 $0x1400, s30  }
0x6a: {  	[tilespmem:s16], [sflag:$0x1] =	stream.indirect.gather [hbm4b:s0+s19], $0x80, s30, s19, $0xb8;
	[tilespmem:$0x1E400] =	vst v63  }
0x6b: {  	s29 =	sadd.s32 $0x400, s29  }
0x6c: {  	[spmem:s3] =	stream.indirect.scatter.add.f32 [tilespmem:s20], [sflag:$0x4], $0x80, s31, s19, $0xb8;
	[tilespmem:$0x1E400] =	vst v63  }
.LBB2_6:
0x6d: {  	[spmem:s3] =	stream.indirect.scatter.add.f32 [tilespmem:s20], [sflag:$0x4], $0x80, s31, s19, $0xb8;
	[tilespmem:$0x1E400] =	vst v63  }
0x6e: {  	_ =	swait.ge [sflag:s26], $0x4000  }
0x6f: {  	[sflag:s26] =	ssyncset.done $0x0  }
0x70: {  	[sflag:s26] =	ssyncadd.s32 $0xFFFFC000  }
0x71: {  	[tilespmem:s4], [sflag:$0x5] =	stream.linear.gather [hbm4b:s14+s4], $0x1400, $0x38;
	[tilespmem:$0x1E400] =	vst v63  }
0x72: {  	_ =	swait.ge [sflag:s17], $0x1400  }
0x73: {  	[sflag:s17] =	ssyncset.done $0x0  }
0x74: {  	[sflag:s17] =	ssyncadd.s32 $0xFFFFEC00  }
0x75: {  	[tilespmem:s18], [sflag:$0x5] =	stream.linear.gather [hbm4b:s15+s4], $0x1400, $0x38;
	[tilespmem:$0x1E400] =	vst v63  }
0x76: {  	_ =	swait.ge [sflag:s17], $0x1400  }
0x77: {  	[sflag:s17] =	ssyncset.done $0x0  }
0x78: {  	[sflag:s17] =	ssyncadd.s32 $0xFFFFEC00  }
0x79: {  	[tilespmem:s16], [sflag:$0x1] =	stream.indirect.gather [hbm4b:s0+s19], $0x80, s4, s19, $0xb8;
	[tilespmem:$0x1E400] =	vst v63  }
0x7a: {  	_ = 	snop  }
0x7b: {  	[tilespmem:s20], [sflag:$0x2] =	stream.indirect.gather [hbm4b:s0+s19], $0x80, s19, s19, $0xb8;
	[tilespmem:$0x1E400] =	vst v63  }
0x7c: {  	_ =	swait.ge [sflag:s21], $0x4000  }
0x7d: {  	[sflag:s21] =	ssyncset.done $0x0  }
0x7e: {  	[sflag:s21] =	ssyncadd.s32 $0xFFFFC000  }
0x7f: {  	[spmem:s3] =	stream.indirect.scatter.add.f32 [tilespmem:s16], [sflag:$0x3], $0x80, s18, s19, $0xb8;
	[tilespmem:$0x1E400] =	vst v63  }
0x80: {  	_ =	swait.ge [sflag:s22], $0x4000  }
0x81: {  	[sflag:s22] =	ssyncset.done $0x0  }
0x82: {  	[sflag:s22] =	ssyncadd.s32 $0xFFFFC000  }
0x83: {  	_ =	swait.ge [sflag:s23], $0x4000  }
0x84: {  	[sflag:s23] =	ssyncset.done $0x0  }
0x85: {  	[sflag:s23] =	ssyncadd.s32 $0xFFFFC000  }
0x86: {  	[tilespmem:s16], [sflag:$0x1] =	stream.indirect.gather [hbm4b:s0+s19], $0x80, s24, s19, $0xb8;
	[tilespmem:$0x1E400] =	vst v63  }
0x87: {  	s29 =	simm.s32 $0xFFFFB800  }
0x88: {  	[spmem:s3] =	stream.indirect.scatter.add.f32 [tilespmem:s20], [sflag:$0x4], $0x80, s25, s19, $0xb8;
	[tilespmem:$0x1E400] =	vst v63  }
.LBB2_7:
0x89: {  	_ =	swait.ge [sflag:s26], $0x4000  }
0x8a: {  	s30 =	sshra.s32 s29, $0x2;
	[sflag:s26] =	ssyncset.done $0x0  }
0x8b: {  	s31 =	sadd.s32 $0x1380, s30;
	[sflag:s26] =	ssyncadd.s32 $0xFFFFC000  }
0x8c: {  	[tilespmem:s20], [sflag:$0x2] =	stream.indirect.gather [hbm4b:s0+s19], $0x80, s31, s19, $0xb8;
	[tilespmem:$0x1E400] =	vst v63  }
0x8d: {  	_ =	swait.ge [sflag:s21], $0x4000  }
0x8e: {  	[sflag:s21] =	ssyncset.done $0x0  }
0x8f: {  	s31 =	sadd.s32 $0x2700, s30;
	[sflag:s21] =	ssyncadd.s32 $0xFFFFC000  }
0x90: {  	[spmem:s3] =	stream.indirect.scatter.add.f32 [tilespmem:s16], [sflag:$0x3], $0x80, s31, s19, $0xb8;
	[tilespmem:$0x1E400] =	vst v63  }
0x91: {  	p0 =	seq.s32 s29, $0x0;
	_ =	swait.ge [sflag:s22], $0x4000  }
.Ltmp5:
0x92: {  	[sflag:s22] =	ssyncset.done $0x0;
	(pc) =	sbr.rel @p0 .LBB2_9-.Ltmp5, $4  }
0x93: {  	[sflag:s22] =	ssyncadd.s32 $0xFFFFC000  }
0x94: {  	_ =	swait.ge [sflag:s23], $0x4000  }
0x95: {  	[sflag:s23] =	ssyncset.done $0x0  }
0x96: {  	s31 =	sadd.s32 $0x2780, s30;
	[sflag:s23] =	ssyncadd.s32 $0xFFFFC000  }
.Ltmp6:
0x97: {  	(pc) =	sbr.rel .LBB2_7-.Ltmp6, $4  }
0x98: {  	s30 =	sadd.s32 $0x1400, s30  }
0x99: {  	[tilespmem:s16], [sflag:$0x1] =	stream.indirect.gather [hbm4b:s0+s19], $0x80, s30, s19, $0xb8;
	[tilespmem:$0x1E400] =	vst v63  }
0x9a: {  	s29 =	sadd.s32 $0x400, s29  }
0x9b: {  	[spmem:s3] =	stream.indirect.scatter.add.f32 [tilespmem:s20], [sflag:$0x4], $0x80, s31, s19, $0xb8;
	[tilespmem:$0x1E400] =	vst v63  }
.LBB2_10:
0x9c: {  	_ =	sfence.sel $0x180000  }
0x9d: {  	[bflag:$0x0] =	sbarrier.arrive $0xFFFF  }
0x9e: {  	p0 =	sne.s32 s2, $0x0;
	_ =	strace $0x9000004A  }
0x9f: {  	s0 =	sadd.s32 @!p0 $0x100000, s1;
	[bflag:$0x2] =	sbarrier.arrive $0xFFFF  }
0xa0: {  	[sflag:s0] =	ssyncadd.tile.s32 @!p0 $0x1;
	_ =	shalt  }
.Lfunc_end2:
_tile_overlayer_lowered:
.L_overlay_start_2:
0xa1: {  	(tag) =	ssettag $0x2  }
0xa2: {  	s0 =	rddreg [dreg:$0x0];
	s2 =	stileid.u32  }
0xa3: {  	s1 =	rddreg [dreg:$0x1];
	p0 =	sne.s32 s2, $0x0  }
0xa4: {  	s3 =	rddreg [dreg:$0x2];
	[bflag:$0x3] =	sbarrier.arrive $0xFFFF;
	s2 =	simm.s32 @!p0 $0x1C05  }
0xa5: {  	[timem:s3], [sflag:s2] =	dma.local @!p0 [hbm:s0], s1  }
0xa6: {  	s0 =	simm.s32 @!p0 $0x5  }
0xa7: {  	_ =	swait.ge @!p0 [sflag:s0], s1  }
0xa8: {  	s1 =	ssub.s32 @!p0 $0x0, s1;
	[sflag:s0] =	ssyncset.done @!p0 $0x0  }
0xa9: {  	[sflag:s0] =	ssyncadd.s32 @!p0 s1  }
0xaa: {  	[bflag:$0x3] =	sbarrier.arrive $0xFFFF  }
0xab: {  	_ =	shalt  }

// kernel: kernel.8.cloned.1.call-start
scs
__scs_entry_jumppad:
0x0: {  	(pc) =	sbr.rel $0x88, $3  }
0x1: {  	(tag) =	ssettag $0x0;
	lr =	simm.s32 $0x1  }
0x2: {  	[smem:$0x3F96] =	sst lr;
	_ =	strace $0xD0000000  }
0x3: {  	_ = 	snop  }
0x4: {  	_ = 	snop  }
0x5: {  	_ = 	snop  }
0x6: {  	_ = 	snop  }
0x7: {  	_ = 	snop  }
__scs_overlays_trampoline_lowered:
0x8: {  	[smem:$0x3FA5] =	sst s0  }
0x9: {  	[smem:$0x3FA6] =	sst s1  }
0xa: {  	[smem:$0x3FA7] =	sst s2  }
0xb: {  	[smem:$0x3FA8] =	sst s3  }
0xc: {  	[smem:$0x3FA9] =	sst s4  }
0xd: {  	[smem:$0x3FAA] =	sst s5  }
0xe: {  	[smem:$0x3FAB] =	sst s6  }
0xf: {  	[smem:$0x3FAC] =	sst s7  }
0x10: {  	[smem:$0x3FAD] =	sst s8  }
0x11: {  	[smem:$0x3FAE] =	sst s9;
	s0 =	simm.s32 @!p0 $0x0  }
0x12: {  	s1 =	sld [smem:$0x3F94];
	s0 =	simm.s32 @p0 $0x1  }
0x13: {  	[smem:$0x3FAF] =	sst s0;
	s0 =	simm.s32 @!p1 $0x0  }
0x14: {  	s2 =	sld [smem:$0x3F93];
	s0 =	simm.s32 @p1 $0x1  }
0x15: {  	[smem:$0x3FB0] =	sst s0;
	s0 =	simm.s32 @!p2 $0x0  }
0x16: {  	s3 =	sld [smem:$0x3FDB];
	s0 =	simm.s32 @p2 $0x1  }
0x17: {  	s4 =	simm.s32 $0x1BF5;
	[smem:$0x3FB2] =	sst s0  }
0x18: {  	s0 =	sld [smem:$0x3F95];
	_ =	swait.ge [sflag:s4], $0x0  }
0x19: {  	s7 =	sld [smem:$0x3F96]  }
0x1a: {  	s8 =	sadd.s32 $0xFFFFE003, lr  }
0x1b: {  	s9 =	sadd.s32 $0xFFFFFEF7, lr;
	s5 =	simm.s32 $0xFFFFFFFF;
	p2 =	slt.u32 s8, $0xFFFFF086  }
0x1c: {  	p1 =	slt.u32 s9, $0xF7A;
	s5 =	simm.s32 @!p2 $0x0  }
0x1d: {  	s5 =	simm.s32 @p1 $0x1;
	p0 =	seq.s32 s7, s2  }
0x1e: {  	s7 =	smul.u32 @!p0 $0xF7A, s2;
	p2 =	seq.s32 @!p0 s5, $0x0  }
0x1f: {  	s9 =	smul.u32 $0xF7A, s1;
	s8 =	simm.s32 @!p0 $0x1BF5;
	p2 =	por !p2, p0  }
0x20: {  	[sflag:s8] =	ssyncset.s32 @!p0 $0xFFFFF086;
	s6 =	sadd.s32 @!p0 s3, s7;
	s7 =	simm.s32 @!p0 $0x108  }
0x21: {  	s3 =	sadd.s32 s3, s9;
	s6 =	sadd.s32 @!p0 $0x88, s6;
	s7 =	simm.s32 @p2 $0x1082  }
0x22: {  	[simem:s7], [sflag:s8] =	dma.local @!p0 [hbm:s6], $0xF7A  }
0x23: {  	s9 =	sor.u32 $0xD0000000, s2;
	s6 =	simm.s32 $0x108;
	_ =	swait.ge @!p0 [sflag:s8], $0x0  }
0x24: {  	s3 =	sadd.s32 $0x88, s3;
	s6 =	simm.s32 @!p1 $0x1082;
	[sflag:s4] =	ssyncset.s32 $0xFFFFF086  }
0x25: {  	[simem:s6], [sflag:s4] =	dma.local [hbm:s3], $0xF7A  }
0x26: {  	[smem:$0x3F96] =	sst s1;
	(tag) =	ssettag s2;
	_ =	strace s9  }
0x27: {  	s1 =	sld [smem:$0x3FA6]  }
0x28: {  	s2 =	sld [smem:$0x3FA7]  }
0x29: {  	s4 =	sld [smem:$0x3FA9]  }
0x2a: {  	p0 =	seq.s32 s5, $0x0;
	s5 =	sld [smem:$0x3FAA]  }
0x2b: {  	s6 =	sld [smem:$0x3FAB]  }
0x2c: {  	s7 =	sld [smem:$0x3FAC]  }
0x2d: {  	s3 =	simm.s32 $0x108;
	s8 =	sld [smem:$0x3FAD]  }
0x2e: {  	s3 =	simm.s32 @!p0 $0x1082;
	s9 =	sld [smem:$0x3FAE]  }
0x2f: {  	lr =	sadd.s32 s0, s3;
	s0 =	sld [smem:$0x3FA5]  }
0x30: {  	s3 =	sld [smem:$0x3FA8]  }
0x31: {  	[smem:$0x3FB1] =	sst s10  }
0x32: {  	s10 =	sld [smem:$0x3FAF];
	_ =	sdelay $0x3  }
0x33: {  	p0 =	seq.s32 s10, $0x1;
	s10 =	sld [smem:$0x3FB1];
	_ =	sdelay $0x3  }
0x34: {  	[smem:$0x3FB1] =	sst s10  }
0x35: {  	s10 =	sld [smem:$0x3FB0];
	_ =	sdelay $0x3  }
0x36: {  	p1 =	seq.s32 s10, $0x1;
	s10 =	sld [smem:$0x3FB1];
	_ =	sdelay $0x3  }
0x37: {  	[smem:$0x3FB1] =	sst s10  }
0x38: {  	s10 =	sld [smem:$0x3FB2]  }
0x39: {  	_ = 	snop;
	(pc) =	sbr.ind lr, $3  }
0x3a: {  	_ = 	snop  }
0x3b: {  	_ = 	snop  }
0x3c: {  	p2 =	seq.s32 s10, $0x1;
	s10 =	sld [smem:$0x3FB1]  }
0x3d: {  	_ =	shalt  }
0x3e: {  	_ =	shalt  }
0x3f: {  	_ =	shalt  }
0x40: {  	_ =	shalt  }
0x41: {  	_ =	shalt  }
0x42: {  	_ =	shalt  }
0x43: {  	_ =	shalt  }
0x44: {  	_ =	shalt  }
0x45: {  	_ =	shalt  }
0x46: {  	_ =	shalt  }
0x47: {  	_ =	shalt  }
0x48: {  	_ =	shalt  }
0x49: {  	_ =	shalt  }
0x4a: {  	_ =	shalt  }
0x4b: {  	_ =	shalt  }
0x4c: {  	_ =	shalt  }
0x4d: {  	_ =	shalt  }
0x4e: {  	_ =	shalt  }
0x4f: {  	_ =	shalt  }
0x50: {  	_ =	shalt  }
0x51: {  	_ =	shalt  }
0x52: {  	_ =	shalt  }
0x53: {  	_ =	shalt  }
0x54: {  	_ =	shalt  }
0x55: {  	_ =	shalt  }
0x56: {  	_ =	shalt  }
0x57: {  	_ =	shalt  }
0x58: {  	_ =	shalt  }
0x59: {  	_ =	shalt  }
0x5a: {  	_ =	shalt  }
0x5b: {  	_ =	shalt  }
0x5c: {  	_ =	shalt  }
0x5d: {  	_ =	shalt  }
0x5e: {  	_ =	shalt  }
0x5f: {  	_ =	shalt  }
0x60: {  	_ =	shalt  }
0x61: {  	_ =	shalt  }
0x62: {  	_ =	shalt  }
0x63: {  	_ =	shalt  }
0x64: {  	_ =	shalt  }
0x65: {  	_ =	shalt  }
0x66: {  	_ =	shalt  }
0x67: {  	_ =	shalt  }
0x68: {  	_ =	shalt  }
0x69: {  	_ =	shalt  }
0x6a: {  	_ =	shalt  }
0x6b: {  	_ =	shalt  }
0x6c: {  	_ =	shalt  }
0x6d: {  	_ =	shalt  }
0x6e: {  	_ =	shalt  }
0x6f: {  	_ =	shalt  }
0x70: {  	_ =	shalt  }
0x71: {  	_ =	shalt  }
0x72: {  	_ =	shalt  }
0x73: {  	_ =	shalt  }
0x74: {  	_ =	shalt  }
0x75: {  	_ =	shalt  }
0x76: {  	_ =	shalt  }
0x77: {  	_ =	shalt  }
0x78: {  	_ =	shalt  }
0x79: {  	_ =	shalt  }
0x7a: {  	_ =	shalt  }
0x7b: {  	_ =	shalt  }
0x7c: {  	_ =	shalt  }
0x7d: {  	_ =	shalt  }
0x7e: {  	_ =	shalt  }
0x7f: {  	_ =	shalt  }
0x80: {  	_ =	shalt  }
0x81: {  	_ =	shalt  }
0x82: {  	_ =	shalt  }
0x83: {  	_ =	shalt  }
0x84: {  	_ =	shalt  }
0x85: {  	_ =	shalt  }
0x86: {  	_ =	shalt  }
0x87: {  	_ =	shalt  }
.Lfunc_end0:
.L_simem_size_0:
called_computation_lowered:
.L_overlay_start_0:
0x88: {  	s2 =	sld [smem:$0x3FD9]  }
0x89: {  	s3 =	sld [smem:$0x3FFE];
	_ =	sdelay $0x1  }
0x8a: {  	s1 =	srdreg.scid  }
0x8b: {  	s0 =	sand.u32 $0x1, s1  }
0x8c: {  	s17 =	sshll.u32 s0, $0xA;
	s2 =	sadd.s32 s3, s2  }
0x8d: {  	s2 =	sadd.s32 s2, s17  }
0x8e: {  	[smem:$0x3FBD] =	sst s2  }
0x8f: {  	_ = 	snop  }
0x90: {  	s2 =	sld [smem:$0x3FC9];
	(tm) =	ssettm $0x1  }
0x91: {  	s18 =	sld [smem:$0x3FFB];
	_ =	sdelay $0x3  }
0x92: {  	_ =	strace s18  }
0x93: {  	s3 =	sld [smem:$0x3FFC];
	_ =	sdelay $0x3  }
0x94: {  	_ =	strace s3  }
0x95: {  	s3 =	sld [smem:$0x3FFD];
	_ =	sdelay $0x3  }
0x96: {  	_ =	strace s3  }
0x97: {  	_ =	strace $0x8FFFFFFF  }
0x98: {  	s19 =	sld [smem:$0x3FDB];
	_ =	sdelay $0x1  }
0x99: {  	s4 =	simm.s32 $_scs_section_size  }
0x9a: {  	s5 =	simm.s32 $_size__tile_overlayer_lowered;
	s6 =	simm.s32 $_tile_overlayer_lowered  }
0x9b: {  	s22 =	simm.s32 $0x1BFF;
	s21 =	sshll.u32 s6, $0x1;
	s3 =	sadd.s32 s4, s19  }
0x9c: {  	s7 =	simm.s32 $0x0;
	s20 =	sshll.u32 s5, $0x1;
	s5 =	sadd.s32 s21, s3  }
0x9d: {  	[timem:s7], [sflag:s22] =	dma.local [hbm:s5], s20  }
0x9e: {  	_ =	swait.ge [sflag:s22], s20  }
0x9f: {  	s4 =	ssub.s32 $0x0, s20;
	[sflag:s22] =	ssyncset.done $0x0  }
0xa0: {  	[sflag:s22] =	ssyncadd.s32 s4;
	_ =	sdelay $0x1  }
0xa1: {  	s23 =	simm.s32 $0x1B8B  }
0xa2: {  	_ =	swait.ge [sflag:s23], $0x1  }
0xa3: {  	[sflag:s23] =	ssyncset.done $0x0  }
0xa4: {  	s25 =	simm.s32 $0x1B8E;
	s24 =	sld [smem:$0x3FFE];
	[sflag:s23] =	ssyncadd.s32 $0xFFFFFFFF  }
0xa5: {  	s26 =	simm.s32 $execute0_lowered;
	[smem:$0x3FD2] =	sst s25  }
0xa6: {  	s5 =	sshll.u32 s26, $0x1;
	_ =	strace $0x80000046;
	[dreg:$0x1] =	wrdreg $0xFFFFFFFF  }
0xa7: {  	s28 =	simm.s32 $_size_execute0_lowered;
	s3 =	sadd.s32 s3, s5;
	[dreg:$0x0] =	wrdreg $0x0  }
0xa8: {  	s5 =	sshll.u32 s28, $0x1;
	[dreg:$0x2] =	wrdreg s3  }
0xa9: {  	[dreg:$0x3] =	wrdreg s5  }
0xaa: {  	[dreg:$0x4] =	wrdreg $0xC0  }
0xab: {  	_ =	task [dreg:s7], $0x5FFFF  }
0xac: {  	[dreg:$0x1] =	wrdreg $0xFFFFFFFF  }
0xad: {  	[dreg:$0x0] =	wrdreg $0x60  }
0xae: {  	[dreg:$0x2] =	wrdreg s2  }
0xaf: {  	[dreg:$0x3] =	wrdreg s24  }
0xb0: {  	[dreg:$0x4] =	wrdreg $0xA8000  }
0xb1: {  	[dreg:$0x5] =	wrdreg $0x9  }
0xb2: {  	_ =	task.clear_ibuf [dreg:s7], $0x6FFFF;
	_ =	strace $0x90000046  }
0xb3: {  	s29 =	simm.s32 $0x9;
	_ =	strace $0x80000048  }
0xb4: {  	_ =	swait.ge [sflag:s29], $0x1  }
0xb5: {  	[sflag:s29] =	ssyncadd.s32 $0xFFFFFFFF  }
0xb6: {  	_ =	strace $0x90000048  }
0xb7: {  	_ =	sfence  }
0xb8: {  	s30 =	sld [smem:$0x0];
	_ =	sdelay $0x2  }
0xb9: {  	s31 =	sshll.u32 s1, $0xD;
	s1 =	sshrl.u32 s1, $0x2  }
0xba: {  	s3 =	sand.u32 $0x4000, s31;
	s1 =	sadd.s32 s1, s30  }
0xbb: {  	s0 =	sor.u32 s3, s0;
	s1 =	sshll.u32 s1, $0x11  }
0xbc: {  	s0 =	sor.u32 s1, s0  }
0xbd: {  	s0 =	sadd.s32 $0x8F2B, s0  }
0xbe: {  	[sflag:s0] =	ssyncadd.remote.s32 $0x1  }
0xbf: {  	_ =	sfence.sel $0xFFFF  }
0xc0: {  	[dreg:$0x0] =	wrdreg $0xFFFFFFFF;
	(pc) =	sbr.abs _section_cstart, $3  }
0xc1: {  	[dreg:$0x1] =	wrdreg $0xFFFFFFFF  }
0xc2: {  	_ =	task.clear_ibuf [dreg:s7], $0x2FFFF;
	_ =	strace $0x9FFFFFFF  }
0xc3: {  	(tm) =	ssettm $0x7FFFFFFF  }
tec
execute0_lowered:
.L_overlay_start_1:
0x0: {  	(tag) =	ssettag $0x1  }
0x1: {  	s0 =	rddreg [dreg:$0x0]  }
0x2: {  	s1 =	rddreg [dreg:$0x1]  }
0x3: {  	s2 =	srdreg.scid;
	s3 =	rddreg [dreg:$0x2]  }
0x4: {  	s8 =	stileid.u32;
	s4 =	simm.s32 $0x0;
	s17 =	simm.s32 $0x2800  }
0x5: {  	s18 =	simm.s32 $0x5;
	s19 =	simm.s32 $0x1400;
	s20 =	simm.s32 $0x80  }
0x6: {  	s21 =	simm.s32 $0x6800;
	s22 =	simm.s32 $0x1;
	s16 =	simm.s32 $0x100  }
0x7: {  	s28 =	simm.s32 $0x4;
	s29 =	simm.s32 $0x2580;
	s30 =	simm.s32 $0x2600  }
0x8: {  	s31 =	simm.s32 $0x2680;
	s2 =	sand.u32 $0x1, s2;
	s6 =	smul.u32 $0x13C00, s8  }
0x9: {  	[smem:$0x7FF] =	sst s4;
	s10 =	sadd.s32 $0x3200, s1;
	s7 =	smul.u32 $0x4F000, s8  }
0xa: {  	s11 =	sadd.s32 $0xD200, s1;
	s8 =	sshll.u32 s8, $0x2;
	s5 =	smul.u32 $0x13C000, s2  }
0xb: {  	_ =	strace $0x80000047;
	s23 =	ssub.s32 $0x2, s2;
	s2 =	sshll.u32 s2, $0x1  }
0xc: {  	s24 =	sshrl.u32 s23, $0x1;
	s7 =	sshrl.u32 s7, $0x2;
	s2 =	sor.u32 s2, s8  }
0xd: {  	s5 =	sadd.s32 s6, s5;
	s12 =	ssub.s32 s23, s24;
	s2 =	smul.u32 $0x280, s2  }
0xe: {  	s23 =	simm.s32 $0x2;
	s24 =	simm.s32 $0x3;
	s5 =	sshrl.u32 s5, $0x3  }
0xf: {  	s25 =	smax.u32 s12, $0x1;
	s1 =	sadd.s32 s5, s1;
	s5 =	sadd.s32 s7, s3  }
0x10: {  	[dreg:$0x6] =	wrdreg s25;
	s26 =	sadd.s32 $0x280, s2;
	s25 =	simm.s32 $0x2500  }
0x11: {  	s6 =	sadd.s32 $0x4000, s5;
	s7 =	sadd.s32 $0x8000, s5;
	s13 =	sadd.s32 $0x17200, s1  }
0x12: {  	s8 =	sadd.s32 $0xC000, s5;
	s1 =	sadd.s32 $0x66200, s1;
	[dreg:$0x4] =	wrdreg s13  }
0x13: {  	s9 =	sadd.s32 $0x10000, s5;
	s14 =	sadd.s32 s11, s26;
	[dreg:$0x5] =	wrdreg s1  }
0x14: {  	s13 =	sadd.s32 s11, s2;
	s2 =	sadd.s32 s10, s2;
	s1 =	sadd.s32 s10, s26  }
0x15: {  	s26 =	simm.s32 $0x1480;
	s10 =	simm.s32 $0x0;
	[dreg:$0x7] =	wrdreg s2  }
0x16: {  	v0 =	vimm.f32 $0.0e+00;
	v1 =	vimm.f32 $1.000000000e+00;
	[dreg:$0x8] =	wrdreg s1;
	s1 =	simm.s32 $0x2700;
	s2 =	simm.s32 $0x2780  }
.LBB2_1:
0x17: {  	s11 =	simm.s32 $0x0;
	s12 =	simm.s32 $0x200  }
.LBB2_2:
0x18: {  	p0 =	sne.s32 s12, $0xFE00;
	[tilespmem:s11+$0x2870] =	vst v0  }
0x19: {  	[tilespmem:s11+$0x2800] =	vst v0  }
0x1a: {  	[tilespmem:s11+$0x2810] =	vst v0  }
.Ltmp0:
0x1b: {  	[tilespmem:s11+$0x2820] =	vst v0;
	(pc) =	sbr.rel @p0 .LBB2_2-.Ltmp0, $4  }
0x1c: {  	[tilespmem:s11+$0x2830] =	vst v0  }
0x1d: {  	[tilespmem:s11+$0x2840] =	vst v0  }
0x1e: {  	[tilespmem:s11+$0x2850] =	vst v0  }
0x1f: {  	[tilespmem:s11+$0x2860] =	vst v0;
	s11 =	sshra.s32 s12, $0x2;
	s12 =	sadd.s32 $0x200, s12  }
0x20: {  	[tilespmem:s11+$0x2870] =	vst v0  }
0x21: {  	[tilespmem:s11+$0x2800] =	vst v0  }
0x22: {  	[tilespmem:s11+$0x2810] =	vst v0  }
0x23: {  	[tilespmem:s11+$0x2820] =	vst v0  }
0x24: {  	[tilespmem:s11+$0x2830] =	vst v0  }
0x25: {  	[tilespmem:s11+$0x2840] =	vst v0  }
0x26: {  	[tilespmem:s11+$0x2850] =	vst v0  }
0x27: {  	[tilespmem:s11+$0x2860] =	vst v0  }
0x28: {  	[spmem:s5] =	stream.linear.scatter [tilespmem:s17], [sflag:$0x5], $0x4000, $0x38;
	[tilespmem:$0x1E400] =	vst v63  }
0x29: {  	_ =	swait.ge [sflag:s18], $0x4000  }
0x2a: {  	[sflag:s18] =	ssyncset.done $0x0  }
0x2b: {  	[sflag:s18] =	ssyncadd.s32 $0xFFFFC000  }
0x2c: {  	[spmem:s6] =	stream.linear.scatter [tilespmem:s17], [sflag:$0x5], $0x4000, $0x38;
	[tilespmem:$0x1E400] =	vst v63  }
0x2d: {  	_ =	swait.ge [sflag:s18], $0x4000  }
0x2e: {  	[sflag:s18] =	ssyncset.done $0x0  }
0x2f: {  	[sflag:s18] =	ssyncadd.s32 $0xFFFFC000  }
0x30: {  	[spmem:s7] =	stream.linear.scatter [tilespmem:s17], [sflag:$0x5], $0x4000, $0x38;
	[tilespmem:$0x1E400] =	vst v63  }
0x31: {  	_ =	swait.ge [sflag:s18], $0x4000  }
0x32: {  	[sflag:s18] =	ssyncset.done $0x0  }
0x33: {  	[sflag:s18] =	ssyncadd.s32 $0xFFFFC000  }
0x34: {  	[spmem:s8] =	stream.linear.scatter [tilespmem:s17], [sflag:$0x5], $0x4000, $0x38;
	[tilespmem:$0x1E400] =	vst v63  }
0x35: {  	_ =	swait.ge [sflag:s18], $0x4000  }
0x36: {  	[sflag:s18] =	ssyncset.done $0x0  }
0x37: {  	[sflag:s18] =	ssyncadd.s32 $0xFFFFC000  }
0x38: {  	[spmem:s9] =	stream.linear.scatter [tilespmem:s17], [sflag:$0x5], $0x3C00, $0x38;
	[tilespmem:$0x1E400] =	vst v63  }
0x39: {  	_ =	swait.ge [sflag:s18], $0x3C00  }
0x3a: {  	[sflag:s18] =	ssyncset.done $0x0  }
0x3b: {  	[sflag:s18] =	ssyncadd.s32 $0xFFFFC400  }
0x3c: {  	[bflag:$0x0] =	sbarrier.arrive $0xFFFF  }
0x3d: {  	s15 =	rddreg [dreg:$0x7]  }
0x3e: {  	[tilespmem:s4], [sflag:$0x5] =	stream.linear.gather [hbm4b:s15+s4], $0x1400, $0x38;
	[tilespmem:$0x1E400] =	vst v63  }
0x3f: {  	_ =	swait.ge [sflag:s18], $0x1400  }
0x40: {  	[sflag:s18] =	ssyncset.done $0x0  }
0x41: {  	[sflag:s18] =	ssyncadd.s32 $0xFFFFEC00  }
0x42: {  	[tilespmem:s19], [sflag:$0x5] =	stream.linear.gather [hbm4b:s13+s4], $0x1400, $0x38;
	[tilespmem:$0x1E400] =	vst v63  }
0x43: {  	_ =	swait.ge [sflag:s18], $0x1400  }
0x44: {  	[sflag:s18] =	ssyncset.done $0x0  }
0x45: {  	[sflag:s18] =	ssyncadd.s32 $0xFFFFEC00  }
0x46: {  	[tilespmem:s17], [sflag:$0x1] =	stream.indirect.gather [hbm4b:s0+s20], $0x80, s4, s20, $0xb8;
	[tilespmem:$0x1E400] =	vst v63  }
0x47: {  	_ = 	snop  }
0x48: {  	[tilespmem:s21], [sflag:$0x2] =	stream.indirect.gather [hbm4b:s0+s20], $0x80, s20, s20, $0xb8;
	[tilespmem:$0x1E400] =	vst v63  }
0x49: {  	_ =	swait.ge [sflag:s22], $0x4000  }
0x4a: {  	[sflag:s22] =	ssyncset.done $0x0  }
0x4b: {  	[sflag:s22] =	ssyncadd.s32 $0xFFFFC000  }
0x4c: {  	[spmem:s3] =	stream.indirect.scatter.add.f32 [tilespmem:s17], [sflag:$0x3], $0x80, s19, s20, $0xb8;
	[tilespmem:$0x1E400] =	vst v63  }
0x4d: {  	_ =	swait.ge [sflag:s23], $0x4000  }
0x4e: {  	[sflag:s23] =	ssyncset.done $0x0  }
0x4f: {  	[sflag:s23] =	ssyncadd.s32 $0xFFFFC000  }
0x50: {  	_ =	swait.ge [sflag:s24], $0x4000  }
0x51: {  	[sflag:s24] =	ssyncset.done $0x0  }
0x52: {  	[sflag:s24] =	ssyncadd.s32 $0xFFFFC000  }
0x53: {  	[tilespmem:s17], [sflag:$0x1] =	stream.indirect.gather [hbm4b:s0+s20], $0x80, s16, s20, $0xb8;
	[tilespmem:$0x1E400] =	vst v63  }
0x54: {  	s11 =	simm.s32 $0xFFFFB800  }
0x55: {  	[spmem:s3] =	stream.indirect.scatter.add.f32 [tilespmem:s21], [sflag:$0x4], $0x80, s26, s20, $0xb8;
	[tilespmem:$0x1E400] =	vst v63  }
.LBB2_4:
0x56: {  	_ =	swait.ge [sflag:s28], $0x4000  }
0x57: {  	s12 =	sshra.s32 s11, $0x2;
	[sflag:s28] =	ssyncset.done $0x0  }
0x58: {  	s15 =	sadd.s32 $0x1380, s12;
	[sflag:s28] =	ssyncadd.s32 $0xFFFFC000  }
0x59: {  	[tilespmem:s21], [sflag:$0x2] =	stream.indirect.gather [hbm4b:s0+s20], $0x80, s15, s20, $0xb8;
	[tilespmem:$0x1E400] =	vst v63  }
0x5a: {  	_ =	swait.ge [sflag:s22], $0x4000  }
0x5b: {  	[sflag:s22] =	ssyncset.done $0x0  }
0x5c: {  	s15 =	sadd.s32 $0x2700, s12;
	[sflag:s22] =	ssyncadd.s32 $0xFFFFC000  }
0x5d: {  	[spmem:s3] =	stream.indirect.scatter.add.f32 [tilespmem:s17], [sflag:$0x3], $0x80, s15, s20, $0xb8;
	[tilespmem:$0x1E400] =	vst v63  }
0x5e: {  	p0 =	seq.s32 s11, $0x0;
	_ =	swait.ge [sflag:s23], $0x4000  }
.Ltmp1:
0x5f: {  	[sflag:s23] =	ssyncset.done $0x0;
	(pc) =	sbr.rel @p0 .LBB2_6-.Ltmp1, $4  }
0x60: {  	[sflag:s23] =	ssyncadd.s32 $0xFFFFC000  }
0x61: {  	_ =	swait.ge [sflag:s24], $0x4000  }
0x62: {  	[sflag:s24] =	ssyncset.done $0x0  }
0x63: {  	s15 =	sadd.s32 $0x2780, s12;
	[sflag:s24] =	ssyncadd.s32 $0xFFFFC000  }
.Ltmp2:
0x64: {  	(pc) =	sbr.rel .LBB2_4-.Ltmp2, $4  }
0x65: {  	s12 =	sadd.s32 $0x1400, s12  }
0x66: {  	[tilespmem:s17], [sflag:$0x1] =	stream.indirect.gather [hbm4b:s0+s20], $0x80, s12, s20, $0xb8;
	[tilespmem:$0x1E400] =	vst v63  }
0x67: {  	s11 =	sadd.s32 $0x400, s11  }
0x68: {  	[spmem:s3] =	stream.indirect.scatter.add.f32 [tilespmem:s21], [sflag:$0x4], $0x80, s15, s20, $0xb8;
	[tilespmem:$0x1E400] =	vst v63  }
.LBB2_6:
0x69: {  	[spmem:s3] =	stream.indirect.scatter.add.f32 [tilespmem:s21], [sflag:$0x4], $0x80, s15, s20, $0xb8;
	[tilespmem:$0x1E400] =	vst v63  }
0x6a: {  	_ =	swait.ge [sflag:s28], $0x4000  }
0x6b: {  	[sflag:s28] =	ssyncset.done $0x0  }
0x6c: {  	s11 =	rddreg [dreg:$0x8];
	[sflag:s28] =	ssyncadd.s32 $0xFFFFC000  }
0x6d: {  	[tilespmem:s4], [sflag:$0x5] =	stream.linear.gather [hbm4b:s11+s4], $0x1400, $0x38;
	[tilespmem:$0x1E400] =	vst v63  }
0x6e: {  	_ =	swait.ge [sflag:s18], $0x1400  }
0x6f: {  	[sflag:s18] =	ssyncset.done $0x0  }
0x70: {  	[sflag:s18] =	ssyncadd.s32 $0xFFFFEC00  }
0x71: {  	[tilespmem:s19], [sflag:$0x5] =	stream.linear.gather [hbm4b:s14+s4], $0x1400, $0x38;
	[tilespmem:$0x1E400] =	vst v63  }
0x72: {  	_ =	swait.ge [sflag:s18], $0x1400  }
0x73: {  	[sflag:s18] =	ssyncset.done $0x0  }
0x74: {  	[sflag:s18] =	ssyncadd.s32 $0xFFFFEC00  }
0x75: {  	[tilespmem:s17], [sflag:$0x1] =	stream.indirect.gather [hbm4b:s0+s20], $0x80, s4, s20, $0xb8;
	[tilespmem:$0x1E400] =	vst v63  }
0x76: {  	_ = 	snop  }
0x77: {  	[tilespmem:s21], [sflag:$0x2] =	stream.indirect.gather [hbm4b:s0+s20], $0x80, s20, s20, $0xb8;
	[tilespmem:$0x1E400] =	vst v63  }
0x78: {  	_ =	swait.ge [sflag:s22], $0x4000  }
0x79: {  	[sflag:s22] =	ssyncset.done $0x0  }
0x7a: {  	[sflag:s22] =	ssyncadd.s32 $0xFFFFC000  }
0x7b: {  	[spmem:s3] =	stream.indirect.scatter.add.f32 [tilespmem:s17], [sflag:$0x3], $0x80, s19, s20, $0xb8;
	[tilespmem:$0x1E400] =	vst v63  }
0x7c: {  	_ =	swait.ge [sflag:s23], $0x4000  }
0x7d: {  	[sflag:s23] =	ssyncset.done $0x0  }
0x7e: {  	[sflag:s23] =	ssyncadd.s32 $0xFFFFC000  }
0x7f: {  	_ =	swait.ge [sflag:s24], $0x4000  }
0x80: {  	[sflag:s24] =	ssyncset.done $0x0  }
0x81: {  	[sflag:s24] =	ssyncadd.s32 $0xFFFFC000  }
0x82: {  	[tilespmem:s17], [sflag:$0x1] =	stream.indirect.gather [hbm4b:s0+s20], $0x80, s16, s20, $0xb8;
	[tilespmem:$0x1E400] =	vst v63  }
0x83: {  	s11 =	simm.s32 $0xFFFFB800  }
0x84: {  	[spmem:s3] =	stream.indirect.scatter.add.f32 [tilespmem:s21], [sflag:$0x4], $0x80, s26, s20, $0xb8;
	[tilespmem:$0x1E400] =	vst v63  }
.LBB2_7:
0x85: {  	_ =	swait.ge [sflag:s28], $0x4000  }
0x86: {  	s12 =	sshra.s32 s11, $0x2;
	[sflag:s28] =	ssyncset.done $0x0  }
0x87: {  	s15 =	sadd.s32 $0x1380, s12;
	[sflag:s28] =	ssyncadd.s32 $0xFFFFC000  }
0x88: {  	[tilespmem:s21], [sflag:$0x2] =	stream.indirect.gather [hbm4b:s0+s20], $0x80, s15, s20, $0xb8;
	[tilespmem:$0x1E400] =	vst v63  }
0x89: {  	_ =	swait.ge [sflag:s22], $0x4000  }
0x8a: {  	[sflag:s22] =	ssyncset.done $0x0  }
0x8b: {  	s16 =	sadd.s32 $0x2700, s12;
	[sflag:s22] =	ssyncadd.s32 $0xFFFFC000  }
0x8c: {  	[spmem:s3] =	stream.indirect.scatter.add.f32 [tilespmem:s17], [sflag:$0x3], $0x80, s16, s20, $0xb8;
	[tilespmem:$0x1E400] =	vst v63  }
0x8d: {  	p0 =	seq.s32 s11, $0x0;
	_ =	swait.ge [sflag:s23], $0x4000  }
.Ltmp3:
0x8e: {  	[sflag:s23] =	ssyncset.done $0x0;
	(pc) =	sbr.rel @p0 .LBB2_9-.Ltmp3, $4  }
0x8f: {  	[sflag:s23] =	ssyncadd.s32 $0xFFFFC000  }
0x90: {  	_ =	swait.ge [sflag:s24], $0x4000  }
0x91: {  	[sflag:s24] =	ssyncset.done $0x0  }
0x92: {  	s15 =	sadd.s32 $0x2780, s12;
	[sflag:s24] =	ssyncadd.s32 $0xFFFFC000  }
.Ltmp4:
0x93: {  	(pc) =	sbr.rel .LBB2_7-.Ltmp4, $4  }
0x94: {  	s12 =	sadd.s32 $0x1400, s12  }
0x95: {  	[tilespmem:s17], [sflag:$0x1] =	stream.indirect.gather [hbm4b:s0+s20], $0x80, s12, s20, $0xb8;
	[tilespmem:$0x1E400] =	vst v63  }
0x96: {  	s11 =	sadd.s32 $0x400, s11  }
0x97: {  	[spmem:s3] =	stream.indirect.scatter.add.f32 [tilespmem:s21], [sflag:$0x4], $0x80, s15, s20, $0xb8;
	[tilespmem:$0x1E400] =	vst v63  }
.LBB2_9:
0x98: {  	[spmem:s3] =	stream.indirect.scatter.add.f32 [tilespmem:s21], [sflag:$0x4], $0x80, s15, s20, $0xb8;
	[tilespmem:$0x1E400] =	vst v63  }
0x99: {  	_ =	swait.ge [sflag:s28], $0x4000  }
0x9a: {  	[sflag:s28] =	ssyncset.done $0x0  }
0x9b: {  	s11 =	stileid.u32;
	[sflag:s28] =	ssyncadd.s32 $0xFFFFC000  }
0x9c: {  	s11 =	sshll.u32 s11, $0x6;
	[bflag:$0x0] =	sbarrier.arrive $0xFFFF  }
0x9d: {  	s12 =	sshrl.u32 s5, $0x3;
	s11 =	sor.u32 $0x1C05, s11;
	s16 =	rddreg [dreg:$0x4]  }
0x9e: {  	[hbm:s16], [sflag:s11] =	dma.local [spmem:s12], $0x2780  }
0x9f: {  	_ =	swait.ge [sflag:s18], $0x2780  }
0xa0: {  	[sflag:s18] =	ssyncset.done $0x0  }
0xa1: {  	s15 =	simm.s32 $0x0;
	s16 =	simm.s32 $0x200;
	[sflag:s18] =	ssyncadd.s32 $0xFFFFD880  }
.LBB2_10:
0xa2: {  	p0 =	sne.s32 s16, $0xFE00;
	[tilespmem:s15+$0x2870] =	vst v0  }
0xa3: {  	[tilespmem:s15+$0x2800] =	vst v0  }
0xa4: {  	[tilespmem:s15+$0x2810] =	vst v0  }
.Ltmp5:
0xa5: {  	[tilespmem:s15+$0x2820] =	vst v0;
	(pc) =	sbr.rel @p0 .LBB2_10-.Ltmp5, $4  }
0xa6: {  	[tilespmem:s15+$0x2830] =	vst v0  }
0xa7: {  	[tilespmem:s15+$0x2840] =	vst v0  }
0xa8: {  	[tilespmem:s15+$0x2850] =	vst v0  }
0xa9: {  	[tilespmem:s15+$0x2860] =	vst v0;
	s15 =	sshra.s32 s16, $0x2;
	s16 =	sadd.s32 $0x200, s16  }
0xaa: {  	[tilespmem:s15+$0x2870] =	vst v0  }
0xab: {  	[tilespmem:s15+$0x2800] =	vst v0  }
0xac: {  	[tilespmem:s15+$0x2810] =	vst v0  }
0xad: {  	[tilespmem:s15+$0x2820] =	vst v0  }
0xae: {  	[tilespmem:s15+$0x2830] =	vst v0  }
0xaf: {  	[tilespmem:s15+$0x2840] =	vst v0  }
0xb0: {  	[tilespmem:s15+$0x2850] =	vst v0  }
0xb1: {  	[tilespmem:s15+$0x2860] =	vst v0  }
0xb2: {  	[spmem:s5] =	stream.linear.scatter [tilespmem:s17], [sflag:$0x5], $0x4000, $0x38;
	[tilespmem:$0x1E400] =	vst v63  }
0xb3: {  	_ =	swait.ge [sflag:s18], $0x4000  }
0xb4: {  	[sflag:s18] =	ssyncset.done $0x0  }
0xb5: {  	[sflag:s18] =	ssyncadd.s32 $0xFFFFC000  }
0xb6: {  	[spmem:s6] =	stream.linear.scatter [tilespmem:s17], [sflag:$0x5], $0x4000, $0x38;
	[tilespmem:$0x1E400] =	vst v63  }
0xb7: {  	_ =	swait.ge [sflag:s18], $0x4000  }
0xb8: {  	[sflag:s18] =	ssyncset.done $0x0  }
0xb9: {  	[sflag:s18] =	ssyncadd.s32 $0xFFFFC000  }
0xba: {  	[spmem:s7] =	stream.linear.scatter [tilespmem:s17], [sflag:$0x5], $0x4000, $0x38;
	[tilespmem:$0x1E400] =	vst v63  }
0xbb: {  	_ =	swait.ge [sflag:s18], $0x4000  }
0xbc: {  	[sflag:s18] =	ssyncset.done $0x0  }
0xbd: {  	[sflag:s18] =	ssyncadd.s32 $0xFFFFC000  }
0xbe: {  	[spmem:s8] =	stream.linear.scatter [tilespmem:s17], [sflag:$0x5], $0x4000, $0x38;
	[tilespmem:$0x1E400] =	vst v63  }
0xbf: {  	_ =	swait.ge [sflag:s18], $0x4000  }
0xc0: {  	[sflag:s18] =	ssyncset.done $0x0  }
0xc1: {  	[sflag:s18] =	ssyncadd.s32 $0xFFFFC000  }
0xc2: {  	[spmem:s9] =	stream.linear.scatter [tilespmem:s17], [sflag:$0x5], $0x3C00, $0x38;
	[tilespmem:$0x1E400] =	vst v63  }
0xc3: {  	_ =	swait.ge [sflag:s18], $0x3C00  }
0xc4: {  	[sflag:s18] =	ssyncset.done $0x0  }
0xc5: {  	s15 =	simm.s32 $0x0;
	s16 =	simm.s32 $0x200;
	[sflag:s18] =	ssyncadd.s32 $0xFFFFC400  }
.LBB2_12:
0xc6: {  	p0 =	sne.s32 s16, $0xFE00;
	[tilespmem:s15+$0x2870] =	vst v1  }
0xc7: {  	[tilespmem:s15+$0x2800] =	vst v1  }
0xc8: {  	[tilespmem:s15+$0x2810] =	vst v1  }
.Ltmp6:
0xc9: {  	[tilespmem:s15+$0x2820] =	vst v1;
	(pc) =	sbr.rel @p0 .LBB2_12-.Ltmp6, $4  }
0xca: {  	[tilespmem:s15+$0x2830] =	vst v1  }
0xcb: {  	[tilespmem:s15+$0x2840] =	vst v1  }
0xcc: {  	[tilespmem:s15+$0x2850] =	vst v1  }
0xcd: {  	[tilespmem:s15+$0x2860] =	vst v1;
	s15 =	sshra.s32 s16, $0x2;
	s16 =	sadd.s32 $0x200, s16  }
0xce: {  	[tilespmem:s15+$0x2870] =	vst v1  }
0xcf: {  	[tilespmem:s15+$0x2800] =	vst v1  }
0xd0: {  	[tilespmem:s15+$0x2810] =	vst v1  }
0xd1: {  	[tilespmem:s15+$0x2820] =	vst v1  }
0xd2: {  	[tilespmem:s15+$0x2830] =	vst v1  }
0xd3: {  	[tilespmem:s15+$0x2840] =	vst v1  }
0xd4: {  	[tilespmem:s15+$0x2850] =	vst v1  }
0xd5: {  	[tilespmem:s15+$0x2860] =	vst v1  }
0xd6: {  	[bflag:$0x0] =	sbarrier.arrive $0xFFFF  }
0xd7: {  	[tilespmem:s19], [sflag:$0x5] =	stream.linear.gather [hbm4b:s13+s4], $0x1400, $0x38;
	[tilespmem:$0x1E400] =	vst v63  }
0xd8: {  	_ =	swait.ge [sflag:s18], $0x1400  }
0xd9: {  	[sflag:s18] =	ssyncset.done $0x0  }
0xda: {  	[sflag:s18] =	ssyncadd.s32 $0xFFFFEC00  }
0xdb: {  	[spmem:s3] =	stream.indirect.scatter.add.f32 [tilespmem:s17], [sflag:$0x1], $0x80, s19, s20, $0xb8;
	[tilespmem:$0x1E400] =	vst v63  }
0xdc: {  	_ = 	snop  }
0xdd: {  	[spmem:s3] =	stream.indirect.scatter.add.f32 [tilespmem:s17], [sflag:$0x1], $0x80, s26, s20, $0xb8;
	[tilespmem:$0x1E400] =	vst v63  }
0xde: {  	s16 =	simm.s32 $0x1500  }
0xdf: {  	[spmem:s3] =	stream.indirect.scatter.add.f32 [tilespmem:s17], [sflag:$0x1], $0x80, s16, s20, $0xb8;
	[tilespmem:$0x1E400] =	vst v63  }
0xe0: {  	s16 =	simm.s32 $0x1580  }
0xe1: {  	[spmem:s3] =	stream.indirect.scatter.add.f32 [tilespmem:s17], [sflag:$0x1], $0x80, s16, s20, $0xb8;
	[tilespmem:$0x1E400] =	vst v63  }
0xe2: {  	s16 =	simm.s32 $0x1600  }
0xe3: {  	[spmem:s3] =	stream.indirect.scatter.add.f32 [tilespmem:s17], [sflag:$0x1], $0x80, s16, s20, $0xb8;
	[tilespmem:$0x1E400] =	vst v63  }
0xe4: {  	s16 =	simm.s32 $0x1680  }
0xe5: {  	[spmem:s3] =	stream.indirect.scatter.add.f32 [tilespmem:s17], [sflag:$0x1], $0x80, s16, s20, $0xb8;
	[tilespmem:$0x1E400] =	vst v63  }
0xe6: {  	s16 =	simm.s32 $0x1700  }
0xe7: {  	[spmem:s3] =	stream.indirect.scatter.add.f32 [tilespmem:s17], [sflag:$0x1], $0x80, s16, s20, $0xb8;
	[tilespmem:$0x1E400] =	vst v63  }
0xe8: {  	s16 =	simm.s32 $0x1780  }
0xe9: {  	[spmem:s3] =	stream.indirect.scatter.add.f32 [tilespmem:s17], [sflag:$0x1], $0x80, s16, s20, $0xb8;
	[tilespmem:$0x1E400] =	vst v63  }
0xea: {  	s16 =	simm.s32 $0x1800  }
0xeb: {  	[spmem:s3] =	stream.indirect.scatter.add.f32 [tilespmem:s17], [sflag:$0x1], $0x80, s16, s20, $0xb8;
	[tilespmem:$0x1E400] =	vst v63  }
0xec: {  	s16 =	simm.s32 $0x1880  }
0xed: {  	[spmem:s3] =	stream.indirect.scatter.add.f32 [tilespmem:s17], [sflag:$0x1], $0x80, s16, s20, $0xb8;
	[tilespmem:$0x1E400] =	vst v63  }
0xee: {  	s16 =	simm.s32 $0x1900  }
0xef: {  	[spmem:s3] =	stream.indirect.scatter.add.f32 [tilespmem:s17], [sflag:$0x1], $0x80, s16, s20, $0xb8;
	[tilespmem:$0x1E400] =	vst v63  }
0xf0: {  	s16 =	simm.s32 $0x1980  }
0xf1: {  	[spmem:s3] =	stream.indirect.scatter.add.f32 [tilespmem:s17], [sflag:$0x1], $0x80, s16, s20, $0xb8;
	[tilespmem:$0x1E400] =	vst v63  }
0xf2: {  	s16 =	simm.s32 $0x1A00  }
0xf3: {  	[spmem:s3] =	stream.indirect.scatter.add.f32 [tilespmem:s17], [sflag:$0x1], $0x80, s16, s20, $0xb8;
	[tilespmem:$0x1E400] =	vst v63  }
0xf4: {  	s16 =	simm.s32 $0x1A80  }
0xf5: {  	[spmem:s3] =	stream.indirect.scatter.add.f32 [tilespmem:s17], [sflag:$0x1], $0x80, s16, s20, $0xb8;
	[tilespmem:$0x1E400] =	vst v63  }
0xf6: {  	s16 =	simm.s32 $0x1B00  }
0xf7: {  	[spmem:s3] =	stream.indirect.scatter.add.f32 [tilespmem:s17], [sflag:$0x1], $0x80, s16, s20, $0xb8;
	[tilespmem:$0x1E400] =	vst v63  }
0xf8: {  	s16 =	simm.s32 $0x1B80  }
0xf9: {  	[spmem:s3] =	stream.indirect.scatter.add.f32 [tilespmem:s17], [sflag:$0x1], $0x80, s16, s20, $0xb8;
	[tilespmem:$0x1E400] =	vst v63  }
0xfa: {  	s16 =	simm.s32 $0x1C00  }
0xfb: {  	[spmem:s3] =	stream.indirect.scatter.add.f32 [tilespmem:s17], [sflag:$0x1], $0x80, s16, s20, $0xb8;
	[tilespmem:$0x1E400] =	vst v63  }
0xfc: {  	s16 =	simm.s32 $0x1C80  }
0xfd: {  	[spmem:s3] =	stream.indirect.scatter.add.f32 [tilespmem:s17], [sflag:$0x1], $0x80, s16, s20, $0xb8;
	[tilespmem:$0x1E400] =	vst v63  }
0xfe: {  	s16 =	simm.s32 $0x1D00  }
0xff: {  	[spmem:s3] =	stream.indirect.scatter.add.f32 [tilespmem:s17], [sflag:$0x1], $0x80, s16, s20, $0xb8;
	[tilespmem:$0x1E400] =	vst v63  }
0x100: {  	s16 =	simm.s32 $0x1D80  }
0x101: {  	[spmem:s3] =	stream.indirect.scatter.add.f32 [tilespmem:s17], [sflag:$0x1], $0x80, s16, s20, $0xb8;
	[tilespmem:$0x1E400] =	vst v63  }
0x102: {  	s16 =	simm.s32 $0x1E00  }
0x103: {  	[spmem:s3] =	stream.indirect.scatter.add.f32 [tilespmem:s17], [sflag:$0x1], $0x80, s16, s20, $0xb8;
	[tilespmem:$0x1E400] =	vst v63  }
0x104: {  	s16 =	simm.s32 $0x1E80  }
0x105: {  	[spmem:s3] =	stream.indirect.scatter.add.f32 [tilespmem:s17], [sflag:$0x1], $0x80, s16, s20, $0xb8;
	[tilespmem:$0x1E400] =	vst v63  }
0x106: {  	s16 =	simm.s32 $0x1F00  }
0x107: {  	[spmem:s3] =	stream.indirect.scatter.add.f32 [tilespmem:s17], [sflag:$0x1], $0x80, s16, s20, $0xb8;
	[tilespmem:$0x1E400] =	vst v63  }
0x108: {  	s16 =	simm.s32 $0x1F80  }
0x109: {  	[spmem:s3] =	stream.indirect.scatter.add.f32 [tilespmem:s17], [sflag:$0x1], $0x80, s16, s20, $0xb8;
	[tilespmem:$0x1E400] =	vst v63  }
0x10a: {  	s16 =	simm.s32 $0x2000  }
0x10b: {  	[spmem:s3] =	stream.indirect.scatter.add.f32 [tilespmem:s17], [sflag:$0x1], $0x80, s16, s20, $0xb8;
	[tilespmem:$0x1E400] =	vst v63  }
0x10c: {  	s16 =	simm.s32 $0x2080  }
0x10d: {  	[spmem:s3] =	stream.indirect.scatter.add.f32 [tilespmem:s17], [sflag:$0x1], $0x80, s16, s20, $0xb8;
	[tilespmem:$0x1E400] =	vst v63  }
0x10e: {  	s16 =	simm.s32 $0x2100  }
0x10f: {  	[spmem:s3] =	stream.indirect.scatter.add.f32 [tilespmem:s17], [sflag:$0x1], $0x80, s16, s20, $0xb8;
	[tilespmem:$0x1E400] =	vst v63  }
0x110: {  	s16 =	simm.s32 $0x2180  }
0x111: {  	[spmem:s3] =	stream.indirect.scatter.add.f32 [tilespmem:s17], [sflag:$0x1], $0x80, s16, s20, $0xb8;
	[tilespmem:$0x1E400] =	vst v63  }
0x112: {  	s16 =	simm.s32 $0x2200  }
0x113: {  	[spmem:s3] =	stream.indirect.scatter.add.f32 [tilespmem:s17], [sflag:$0x1], $0x80, s16, s20, $0xb8;
	[tilespmem:$0x1E400] =	vst v63  }
0x114: {  	s16 =	simm.s32 $0x2280  }
0x115: {  	[spmem:s3] =	stream.indirect.scatter.add.f32 [tilespmem:s17], [sflag:$0x1], $0x80, s16, s20, $0xb8;
	[tilespmem:$0x1E400] =	vst v63  }
0x116: {  	s16 =	simm.s32 $0x2300  }
0x117: {  	[spmem:s3] =	stream.indirect.scatter.add.f32 [tilespmem:s17], [sflag:$0x1], $0x80, s16, s20, $0xb8;
	[tilespmem:$0x1E400] =	vst v63  }
0x118: {  	s16 =	simm.s32 $0x2380  }
0x119: {  	[spmem:s3] =	stream.indirect.scatter.add.f32 [tilespmem:s17], [sflag:$0x1], $0x80, s16, s20, $0xb8;
	[tilespmem:$0x1E400] =	vst v63  }
0x11a: {  	s16 =	simm.s32 $0x2400  }
0x11b: {  	[spmem:s3] =	stream.indirect.scatter.add.f32 [tilespmem:s17], [sflag:$0x1], $0x80, s16, s20, $0xb8;
	[tilespmem:$0x1E400] =	vst v63  }
0x11c: {  	s16 =	simm.s32 $0x2480  }
0x11d: {  	[spmem:s3] =	stream.indirect.scatter.add.f32 [tilespmem:s17], [sflag:$0x1], $0x80, s16, s20, $0xb8;
	[tilespmem:$0x1E400] =	vst v63  }
0x11e: {  	_ = 	snop  }
0x11f: {  	[spmem:s3] =	stream.indirect.scatter.add.f32 [tilespmem:s17], [sflag:$0x1], $0x80, s25, s20, $0xb8;
	[tilespmem:$0x1E400] =	vst v63  }
0x120: {  	_ = 	snop  }
0x121: {  	[spmem:s3] =	stream.indirect.scatter.add.f32 [tilespmem:s17], [sflag:$0x1], $0x80, s29, s20, $0xb8;
	[tilespmem:$0x1E400] =	vst v63  }
0x122: {  	_ = 	snop  }
0x123: {  	[spmem:s3] =	stream.indirect.scatter.add.f32 [tilespmem:s17], [sflag:$0x1], $0x80, s30, s20, $0xb8;
	[tilespmem:$0x1E400] =	vst v63  }
0x124: {  	_ = 	snop  }
0x125: {  	[spmem:s3] =	stream.indirect.scatter.add.f32 [tilespmem:s17], [sflag:$0x1], $0x80, s31, s20, $0xb8;
	[tilespmem:$0x1E400] =	vst v63  }
0x126: {  	_ = 	snop  }
0x127: {  	[spmem:s3] =	stream.indirect.scatter.add.f32 [tilespmem:s17], [sflag:$0x1], $0x80, s1, s20, $0xb8;
	[tilespmem:$0x1E400] =	vst v63  }
0x128: {  	_ = 	snop  }
0x129: {  	[spmem:s3] =	stream.indirect.scatter.add.f32 [tilespmem:s17], [sflag:$0x1], $0x80, s2, s20, $0xb8;
	[tilespmem:$0x1E400] =	vst v63  }
0x12a: {  	_ =	swait.ge [sflag:s22], $0x4000  }
0x12b: {  	s15 =	simm.s32 $0x27;
	[sflag:s22] =	ssyncset.done $0x0  }
.LBB2_14:
0x12c: {  	p0 =	sne.s32 s15, $0x1;
	s15 =	sadd.s32 $0xFFFFFFFF, s15;
	[sflag:s22] =	ssyncadd.s32 $0xFFFFC000  }
.Ltmp7:
0x12d: {  	(pc) =	sbr.rel @p0 .LBB2_14-.Ltmp7, $3  }
0x12e: {  	_ =	sdelay $0x1  }
0x12f: {  	_ =	swait.ge [sflag:s22], $0x4000  }
0x130: {  	[sflag:s22] =	ssyncset.done $0x0  }
0x131: {  	[sflag:s22] =	ssyncadd.s32 $0xFFFFC000  }
0x132: {  	[tilespmem:s19], [sflag:$0x5] =	stream.linear.gather [hbm4b:s14+s4], $0x1400, $0x38;
	[tilespmem:$0x1E400] =	vst v63  }
0x133: {  	_ =	swait.ge [sflag:s18], $0x1400  }
0x134: {  	[sflag:s18] =	ssyncset.done $0x0  }
0x135: {  	[sflag:s18] =	ssyncadd.s32 $0xFFFFEC00  }
0x136: {  	[spmem:s3] =	stream.indirect.scatter.add.f32 [tilespmem:s17], [sflag:$0x1], $0x80, s19, s20, $0xb8;
	[tilespmem:$0x1E400] =	vst v63  }
0x137: {  	_ = 	snop  }
0x138: {  	[spmem:s3] =	stream.indirect.scatter.add.f32 [tilespmem:s17], [sflag:$0x1], $0x80, s26, s20, $0xb8;
	[tilespmem:$0x1E400] =	vst v63  }
0x139: {  	s15 =	simm.s32 $0x1500  }
0x13a: {  	[spmem:s3] =	stream.indirect.scatter.add.f32 [tilespmem:s17], [sflag:$0x1], $0x80, s15, s20, $0xb8;
	[tilespmem:$0x1E400] =	vst v63  }
0x13b: {  	s16 =	simm.s32 $0x1580  }
0x13c: {  	[spmem:s3] =	stream.indirect.scatter.add.f32 [tilespmem:s17], [sflag:$0x1], $0x80, s16, s20, $0xb8;
	[tilespmem:$0x1E400] =	vst v63  }
0x13d: {  	s16 =	simm.s32 $0x1600  }
0x13e: {  	[spmem:s3] =	stream.indirect.scatter.add.f32 [tilespmem:s17], [sflag:$0x1], $0x80, s16, s20, $0xb8;
	[tilespmem:$0x1E400] =	vst v63  }
0x13f: {  	s16 =	simm.s32 $0x1680  }
0x140: {  	[spmem:s3] =	stream.indirect.scatter.add.f32 [tilespmem:s17], [sflag:$0x1], $0x80, s16, s20, $0xb8;
	[tilespmem:$0x1E400] =	vst v63  }
0x141: {  	s16 =	simm.s32 $0x1700  }
0x142: {  	[spmem:s3] =	stream.indirect.scatter.add.f32 [tilespmem:s17], [sflag:$0x1], $0x80, s16, s20, $0xb8;
	[tilespmem:$0x1E400] =	vst v63  }
0x143: {  	s16 =	simm.s32 $0x1780  }
0x144: {  	[spmem:s3] =	stream.indirect.scatter.add.f32 [tilespmem:s17], [sflag:$0x1], $0x80, s16, s20, $0xb8;
	[tilespmem:$0x1E400] =	vst v63  }
0x145: {  	s16 =	simm.s32 $0x1800  }
0x146: {  	[spmem:s3] =	stream.indirect.scatter.add.f32 [tilespmem:s17], [sflag:$0x1], $0x80, s16, s20, $0xb8;
	[tilespmem:$0x1E400] =	vst v63  }
0x147: {  	s16 =	simm.s32 $0x1880  }
0x148: {  	[spmem:s3] =	stream.indirect.scatter.add.f32 [tilespmem:s17], [sflag:$0x1], $0x80, s16, s20, $0xb8;
	[tilespmem:$0x1E400] =	vst v63  }
0x149: {  	s16 =	simm.s32 $0x1900  }
0x14a: {  	[spmem:s3] =	stream.indirect.scatter.add.f32 [tilespmem:s17], [sflag:$0x1], $0x80, s16, s20, $0xb8;
	[tilespmem:$0x1E400] =	vst v63  }
0x14b: {  	s16 =	simm.s32 $0x1980  }
0x14c: {  	[spmem:s3] =	stream.indirect.scatter.add.f32 [tilespmem:s17], [sflag:$0x1], $0x80, s16, s20, $0xb8;
	[tilespmem:$0x1E400] =	vst v63  }
0x14d: {  	s16 =	simm.s32 $0x1A00  }
0x14e: {  	[spmem:s3] =	stream.indirect.scatter.add.f32 [tilespmem:s17], [sflag:$0x1], $0x80, s16, s20, $0xb8;
	[tilespmem:$0x1E400] =	vst v63  }
0x14f: {  	s16 =	simm.s32 $0x1A80  }
0x150: {  	[spmem:s3] =	stream.indirect.scatter.add.f32 [tilespmem:s17], [sflag:$0x1], $0x80, s16, s20, $0xb8;
	[tilespmem:$0x1E400] =	vst v63  }
0x151: {  	s16 =	simm.s32 $0x1B00  }
0x152: {  	[spmem:s3] =	stream.indirect.scatter.add.f32 [tilespmem:s17], [sflag:$0x1], $0x80, s16, s20, $0xb8;
	[tilespmem:$0x1E400] =	vst v63  }
0x153: {  	s16 =	simm.s32 $0x1B80  }
0x154: {  	[spmem:s3] =	stream.indirect.scatter.add.f32 [tilespmem:s17], [sflag:$0x1], $0x80, s16, s20, $0xb8;
	[tilespmem:$0x1E400] =	vst v63  }
0x155: {  	s16 =	simm.s32 $0x1C00  }
0x156: {  	[spmem:s3] =	stream.indirect.scatter.add.f32 [tilespmem:s17], [sflag:$0x1], $0x80, s16, s20, $0xb8;
	[tilespmem:$0x1E400] =	vst v63  }
0x157: {  	s16 =	simm.s32 $0x1C80  }
0x158: {  	[spmem:s3] =	stream.indirect.scatter.add.f32 [tilespmem:s17], [sflag:$0x1], $0x80, s16, s20, $0xb8;
	[tilespmem:$0x1E400] =	vst v63  }
0x159: {  	s16 =	simm.s32 $0x1D00  }
0x15a: {  	[spmem:s3] =	stream.indirect.scatter.add.f32 [tilespmem:s17], [sflag:$0x1], $0x80, s16, s20, $0xb8;
	[tilespmem:$0x1E400] =	vst v63  }
0x15b: {  	s16 =	simm.s32 $0x1D80  }
0x15c: {  	[spmem:s3] =	stream.indirect.scatter.add.f32 [tilespmem:s17], [sflag:$0x1], $0x80, s16, s20, $0xb8;
	[tilespmem:$0x1E400] =	vst v63  }
0x15d: {  	s16 =	simm.s32 $0x1E00  }
0x15e: {  	[spmem:s3] =	stream.indirect.scatter.add.f32 [tilespmem:s17], [sflag:$0x1], $0x80, s16, s20, $0xb8;
	[tilespmem:$0x1E400] =	vst v63  }
0x15f: {  	s16 =	simm.s32 $0x1E80  }
0x160: {  	[spmem:s3] =	stream.indirect.scatter.add.f32 [tilespmem:s17], [sflag:$0x1], $0x80, s16, s20, $0xb8;
	[tilespmem:$0x1E400] =	vst v63  }
0x161: {  	s16 =	simm.s32 $0x1F00  }
0x162: {  	[spmem:s3] =	stream.indirect.scatter.add.f32 [tilespmem:s17], [sflag:$0x1], $0x80, s16, s20, $0xb8;
	[tilespmem:$0x1E400] =	vst v63  }
0x163: {  	s16 =	simm.s32 $0x1F80  }
0x164: {  	[spmem:s3] =	stream.indirect.scatter.add.f32 [tilespmem:s17], [sflag:$0x1], $0x80, s16, s20, $0xb8;
	[tilespmem:$0x1E400] =	vst v63  }
0x165: {  	s16 =	simm.s32 $0x2000  }
0x166: {  	[spmem:s3] =	stream.indirect.scatter.add.f32 [tilespmem:s17], [sflag:$0x1], $0x80, s16, s20, $0xb8;
	[tilespmem:$0x1E400] =	vst v63  }
0x167: {  	s16 =	simm.s32 $0x2080  }
0x168: {  	[spmem:s3] =	stream.indirect.scatter.add.f32 [tilespmem:s17], [sflag:$0x1], $0x80, s16, s20, $0xb8;
	[tilespmem:$0x1E400] =	vst v63  }
0x169: {  	s16 =	simm.s32 $0x2100  }
0x16a: {  	[spmem:s3] =	stream.indirect.scatter.add.f32 [tilespmem:s17], [sflag:$0x1], $0x80, s16, s20, $0xb8;
	[tilespmem:$0x1E400] =	vst v63  }
0x16b: {  	s16 =	simm.s32 $0x2180  }
0x16c: {  	[spmem:s3] =	stream.indirect.scatter.add.f32 [tilespmem:s17], [sflag:$0x1], $0x80, s16, s20, $0xb8;
	[tilespmem:$0x1E400] =	vst v63  }
0x16d: {  	s16 =	simm.s32 $0x2200  }
0x16e: {  	[spmem:s3] =	stream.indirect.scatter.add.f32 [tilespmem:s17], [sflag:$0x1], $0x80, s16, s20, $0xb8;
	[tilespmem:$0x1E400] =	vst v63  }
0x16f: {  	s16 =	simm.s32 $0x2280  }
0x170: {  	[spmem:s3] =	stream.indirect.scatter.add.f32 [tilespmem:s17], [sflag:$0x1], $0x80, s16, s20, $0xb8;
	[tilespmem:$0x1E400] =	vst v63  }
0x171: {  	s16 =	simm.s32 $0x2300  }
0x172: {  	[spmem:s3] =	stream.indirect.scatter.add.f32 [tilespmem:s17], [sflag:$0x1], $0x80, s16, s20, $0xb8;
	[tilespmem:$0x1E400] =	vst v63  }
0x173: {  	s16 =	simm.s32 $0x2380  }
0x174: {  	[spmem:s3] =	stream.indirect.scatter.add.f32 [tilespmem:s17], [sflag:$0x1], $0x80, s16, s20, $0xb8;
	[tilespmem:$0x1E400] =	vst v63  }
0x175: {  	s16 =	simm.s32 $0x2400  }
0x176: {  	[spmem:s3] =	stream.indirect.scatter.add.f32 [tilespmem:s17], [sflag:$0x1], $0x80, s16, s20, $0xb8;
	[tilespmem:$0x1E400] =	vst v63  }
0x177: {  	s16 =	simm.s32 $0x2480  }
0x178: {  	[spmem:s3] =	stream.indirect.scatter.add.f32 [tilespmem:s17], [sflag:$0x1], $0x80, s16, s20, $0xb8;
	[tilespmem:$0x1E400] =	vst v63  }
0x179: {  	_ = 	snop  }
0x17a: {  	[spmem:s3] =	stream.indirect.scatter.add.f32 [tilespmem:s17], [sflag:$0x1], $0x80, s25, s20, $0xb8;
	[tilespmem:$0x1E400] =	vst v63  }
0x17b: {  	_ = 	snop  }
0x17c: {  	[spmem:s3] =	stream.indirect.scatter.add.f32 [tilespmem:s17], [sflag:$0x1], $0x80, s29, s20, $0xb8;
	[tilespmem:$0x1E400] =	vst v63  }
0x17d: {  	_ = 	snop  }
0x17e: {  	[spmem:s3] =	stream.indirect.scatter.add.f32 [tilespmem:s17], [sflag:$0x1], $0x80, s30, s20, $0xb8;
	[tilespmem:$0x1E400] =	vst v63  }
0x17f: {  	_ = 	snop  }
0x180: {  	[spmem:s3] =	stream.indirect.scatter.add.f32 [tilespmem:s17], [sflag:$0x1], $0x80, s31, s20, $0xb8;
	[tilespmem:$0x1E400] =	vst v63  }
0x181: {  	_ = 	snop  }
0x182: {  	[spmem:s3] =	stream.indirect.scatter.add.f32 [tilespmem:s17], [sflag:$0x1], $0x80, s1, s20, $0xb8;
	[tilespmem:$0x1E400] =	vst v63  }
0x183: {  	_ = 	snop  }
0x184: {  	[spmem:s3] =	stream.indirect.scatter.add.f32 [tilespmem:s17], [sflag:$0x1], $0x80, s2, s20, $0xb8;
	[tilespmem:$0x1E400] =	vst v63  }
0x185: {  	_ =	swait.ge [sflag:s22], $0x4000  }
0x186: {  	s15 =	simm.s32 $0x27;
	s16 =	simm.s32 $0x100;
	[sflag:s22] =	ssyncset.done $0x0  }
.LBB2_16:
0x187: {  	p0 =	sne.s32 s15, $0x1;
	s15 =	sadd.s32 $0xFFFFFFFF, s15;
	[sflag:s22] =	ssyncadd.s32 $0xFFFFC000  }
.Ltmp8:
0x188: {  	(pc) =	sbr.rel @p0 .LBB2_16-.Ltmp8, $3  }
0x189: {  	_ =	sdelay $0x1  }
0x18a: {  	_ =	swait.ge [sflag:s22], $0x4000  }
0x18b: {  	[sflag:s22] =	ssyncset.done $0x0  }
0x18c: {  	[sflag:s22] =	ssyncadd.s32 $0xFFFFC000  }
0x18d: {  	[bflag:$0x0] =	sbarrier.arrive $0xFFFF  }
0x18e: {  	s15 =	rddreg [dreg:$0x5]  }
0x18f: {  	[hbm:s15], [sflag:s11] =	dma.local [spmem:s12], $0x2780  }
0x190: {  	_ =	swait.ge [sflag:s18], $0x2780  }
0x191: {  	s10 =	sadd.s32 $0x1, s10;
	s15 =	rddreg [dreg:$0x6]  }
0x192: {  	p0 =	sne.s32 s10, s15  }
.Ltmp9:
0x193: {  	_ = 	snop;
	(pc) =	sbr.rel @p0 .LBB2_1-.Ltmp9, $3  }
0x194: {  	_ =	sdelay $0x1  }
0x195: {  	[sflag:s18] =	ssyncset.done $0x0  }
0x196: {  	[sflag:s18] =	ssyncadd.s32 $0xFFFFD880  }
0x197: {  	_ =	sfence.sel $0x180000  }
0x198: {  	[bflag:$0x0] =	sbarrier.arrive $0xFFFF  }
0x199: {  	_ =	strace $0x90000047  }
0x19a: {  	s0 =	stileid.u32;
	[bflag:$0x2] =	sbarrier.arrive $0xFFFF  }
0x19b: {  	p0 =	sne.s32 s0, $0x0;
	s0 =	rddreg [dreg:$0x3]  }
0x19c: {  	s0 =	sadd.s32 @!p0 $0x100000, s0  }
0x19d: {  	[sflag:s0] =	ssyncadd.tile.s32 @!p0 $0x1;
	_ =	shalt  }
.Lfunc_end2:
_tile_overlayer_lowered:
.L_overlay_start_2:
0x19e: {  	(tag) =	ssettag $0x2  }
0x19f: {  	s0 =	rddreg [dreg:$0x0];
	s2 =	stileid.u32  }
0x1a0: {  	s1 =	rddreg [dreg:$0x1];
	p0 =	sne.s32 s2, $0x0  }
0x1a1: {  	s3 =	rddreg [dreg:$0x2];
	[bflag:$0x3] =	sbarrier.arrive $0xFFFF;
	s2 =	simm.s32 @!p0 $0x1C05  }
0x1a2: {  	[timem:s3], [sflag:s2] =	dma.local @!p0 [hbm:s0], s1  }
0x1a3: {  	s0 =	simm.s32 @!p0 $0x5  }
0x1a4: {  	_ =	swait.ge @!p0 [sflag:s0], s1  }
0x1a5: {  	s1 =	ssub.s32 @!p0 $0x0, s1;
	[sflag:s0] =	ssyncset.done @!p0 $0x0  }
0x1a6: {  	[sflag:s0] =	ssyncadd.s32 @!p0 s1  }
0x1a7: {  	[bflag:$0x3] =	sbarrier.arrive $0xFFFF  }
0x1a8: {  	_ =	shalt  }

</sc_bundles>
